<compile_context>
chip_gen: v7x
topology: tpu7x:2x2x1
jax: 0.10.2.dev20260603
libtpu: 0.0.44.dev20260713+nightly
codegen_flags: <defaults>
</compile_context>

<pallas_src>
import functools

import jax
import jax.numpy as jnp
from jax import lax
from jax.experimental import pallas as pl
from jax.experimental.pallas import tpu as pltpu
from jax.experimental.pallas import tpu_sc as plsc

_H = 128
_N = 10000
_E = 320000
_W = 144
_SUB = 125
_NC = 2
_NS = 16
_NW = _NC * _NS
_EPT = _E // _NW
_JPT = _EPT // _SUB
_NQ = _JPT // 4
_RPS = 624
_TAIL = _N - _NS * _RPS


def _prologue_body(x_ref, wg1_ref, bg1_ref, wg2_ref, bg2_ref, wt_ref,
                   bt_ref, r_ref):
    x = x_ref[...]
    h = jnp.maximum(
        jnp.dot(x, wg1_ref[...], preferred_element_type=jnp.float32)
        + bg1_ref[...], 0.0)
    g = (jnp.dot(h, wg2_ref[...], preferred_element_type=jnp.float32)
         + bg2_ref[...])
    p = jnp.exp(g - jnp.max(g))
    t = jnp.maximum(
        jnp.dot(x, wt_ref[...], preferred_element_type=jnp.float32)
        + bt_ref[...], 0.0)
    r_ref[:, :_H] = p * t
    r_ref[:, _H:_H + 1] = p
    r_ref[:, _H + 1:] = jnp.zeros((x.shape[0], _W - _H - 1), jnp.float32)


def _edge_body(r_hbm, idx_hbm, z2_hbm, out_hbm,
               idx0, idx1, idx2, idx3,
               rows0, rows1, accum,
               isem0, isem1, isem2, isem3,
               gsem0, gsem1, ssem0, ssem1):
    c = lax.axis_index("c")
    s = lax.axis_index("s")
    wid = c * _NS + s
    base = wid * _JPT
    ibufs = ((idx0, isem0), (idx1, isem1), (idx2, isem2), (idx3, isem3))
    rbufs = ((rows0, gsem0, ssem0), (rows1, gsem1, ssem1))
    if True:
        pltpu.sync_copy(z2_hbm.at[pl.ds(s * _RPS, _RPS)],
                        accum.at[pl.ds(s * _RPS, _RPS)])

        @pl.when(s == 0)
        def _():
            pltpu.sync_copy(z2_hbm.at[pl.ds(_NS * _RPS, _TAIL)],
                            accum.at[pl.ds(_NS * _RPS, _TAIL)])

        plsc.subcore_barrier()

        for jj in range(4):
            ib, isem = ibufs[jj]
            pltpu.async_copy(idx_hbm.at[base + jj], ib, isem)
        for jj in range(2):
            ib, isem = ibufs[jj]
            rows, gsem, _ = rbufs[jj]
            pltpu.make_async_copy(idx_hbm.at[base + jj], ib, isem).wait()
            pltpu.async_copy(r_hbm.at[ib.at[0]], rows, gsem)

        def step(j, m):
            rows, gsem, ssem = rbufs[m % 2]
            ib, isem = ibufs[m % 4]
            ibN, isemN = ibufs[(m + 2) % 4]
            pltpu.make_async_copy(r_hbm.at[ib.at[0]], rows, gsem).wait()
            pltpu.async_copy(rows, accum.at[ib.at[1]], ssem,
                             add=True).wait()

            @pl.when(j + 2 < _JPT)
            def _():
                pltpu.make_async_copy(
                    idx_hbm.at[base + j + 2], ibN, isemN).wait()
                pltpu.async_copy(r_hbm.at[ibN.at[0]], rows, gsem)

            @pl.when(j + 4 < _JPT)
            def _():
                pltpu.async_copy(idx_hbm.at[base + j + 4], ib, isem)

        def body(k, carry):
            for m in range(4):
                step(4 * k + m, m)
            return carry

        lax.fori_loop(0, _NQ, body, 0)
        plsc.subcore_barrier()
        pltpu.sync_copy(accum.at[pl.ds(s * _RPS, _RPS)],
                        out_hbm.at[c].at[pl.ds(s * _RPS, _RPS)])

        @pl.when(s == 0)
        def _():
            pltpu.sync_copy(accum.at[pl.ds(_NS * _RPS, _TAIL)],
                            out_hbm.at[c].at[pl.ds(_NS * _RPS, _TAIL)])


def _epilogue_body(u_ref, z_ref):
    u = u_ref[0] + u_ref[1]
    z_ref[...] = u[:, :_H] / (u[:, _H:_H + 1] + 1e-16)


def kernel(metabolite_features, hyperedge_index, W_g1, b_g1, W_g2, b_g2,
           W_t, b_t):
    x = metabolite_features
    idx = jnp.stack(
        [hyperedge_index[0].reshape(_NW, _JPT, _SUB),
         hyperedge_index[1].reshape(_NW, _JPT, _SUB)],
        axis=2).reshape(_NW * _JPT, 2, _SUB)

    r = pl.pallas_call(
        _prologue_body,
        out_shape=jax.ShapeDtypeStruct((_N, _W), jnp.float32),
    )(x, W_g1, b_g1.reshape(1, -1), W_g2, b_g2.reshape(1, -1),
      W_t, b_t.reshape(1, -1))

    mesh = plsc.VectorSubcoreMesh(core_axis_name="c", subcore_axis_name="s")
    edge_kernel = functools.partial(
        pl.kernel,
        mesh=mesh,
        out_type=jax.ShapeDtypeStruct((_NC, _N, _W), jnp.float32),
        scratch_types=(
            [pltpu.VMEM((2, _SUB), jnp.int32) for _ in range(4)]
            + [pltpu.VMEM((_SUB, _W), jnp.float32) for _ in range(2)]
            + [pltpu.VMEM_SHARED((_N, _W), jnp.float32)]
            + [pltpu.SemaphoreType.DMA for _ in range(8)]
        ),
        compiler_params=pltpu.CompilerParams(
            needs_layout_passes=False, use_tc_tiling_on_sc=False),
    )(_edge_body)
    u = edge_kernel(r, idx, jnp.zeros((_N, _W), jnp.float32))

    z = pl.pallas_call(
        _epilogue_body,
        out_shape=jax.ShapeDtypeStruct((_N, _H), jnp.float32),
    )(u)
    return z

# --- scband reference (transcript-rebuilt; emitter-appended) ---
"""Pipeline reference for scband-reaction-mapper-14353780703958 (READ-ONLY COPY).

The authoritative reference and input builder live on the scoring server;
editing this copy changes nothing except your own understanding.
"""

import jax, jax.numpy as jnp
import numpy as np

H = 128
N_NODES = 10000
N_EDGES = 320000


def setup_inputs(seed: int = 0) -> dict:
    key = jax.random.key(seed)
    k1, k2, k3, k4, k5, k6, k7, k8 = jax.random.split(key, 8)
    metabolite_features = jax.random.normal(k1, (N_NODES, H), dtype=jnp.float32)
    hyperedge_index = jax.random.randint(k2, (2, N_EDGES), 0, N_NODES, dtype=jnp.int32)
    # AttentionalGraphAggregation parameters (dropout=0.0 / eval mode => identity)
    W_g1 = jax.random.normal(k3, (H, H // 2), dtype=jnp.float32) * 0.05
    b_g1 = jnp.zeros((H // 2,), dtype=jnp.float32)
    W_g2 = jax.random.normal(k4, (H // 2, 1), dtype=jnp.float32) * 0.05
    b_g2 = jnp.zeros((1,), dtype=jnp.float32)
    W_t = jax.random.normal(k5, (H, H), dtype=jnp.float32) * 0.05
    b_t = jnp.zeros((H,), dtype=jnp.float32)
    return {
        "metabolite_features": metabolite_features,
        "hyperedge_index": hyperedge_index,
        "W_g1": W_g1, "b_g1": b_g1,
        "W_g2": W_g2, "b_g2": b_g2,
        "W_t": W_t, "b_t": b_t,
    }


def reference(metabolite_features, hyperedge_index, W_g1, b_g1, W_g2, b_g2, W_t, b_t):
    # ReactionMapper.forward
    rxn_indices = hyperedge_index[1]
    sorted_idx = jnp.argsort(rxn_indices)
    src_idx = hyperedge_index[0][sorted_idx]
    feats = metabolite_features[src_idx]            # gather [E, H]
    rxn = rxn_indices[sorted_idx]                   # sorted segment ids [E]
    num_seg = metabolite_features.shape[0]          # dim_size = index.max()+1

    # gate_nn: Linear(H, H//2) -> ReLU -> (Dropout p=0 identity) -> Linear(H//2, 1)
    gate = jnp.maximum(feats @ W_g1 + b_g1, 0.0) @ W_g2 + b_g2   # [E, 1]

    # segment softmax over reactions (PyG softmax)
    seg_max = jax.ops.segment_max(gate, rxn, num_segments=num_seg)
    gate = jnp.exp(gate - jax.lax.stop_gradient(seg_max)[rxn])
    seg_sum = jax.ops.segment_sum(gate, rxn, num_segments=num_seg)
    gate = gate / (seg_sum[rxn] + 1e-16)

    # transform_nn: Linear(H, H) -> ReLU -> (Dropout identity)
    t = jnp.maximum(feats @ W_t + b_t, 0.0)         # [E, H]

    # attention-weighted scatter-add per reaction
    Z_r = jax.ops.segment_sum(gate * t, rxn, num_segments=num_seg)  # [num_seg, H]
    return Z_r

if __name__ == "__main__":
    import jax
    _d = setup_inputs()
    print(jax.jit(kernel)(*tuple(_d.values())))

</pallas_src>

<mosaic_0001>
#map = affine_map<(d0, d1) -> (0, 0)>
#map1 = affine_map<(d0, d1) -> (0, 0, 0)>
module attributes {stable_mosaic.version = 14 : i64} {
  func.func @_edge_body(%arg0: i32, %arg1: i32, %arg2: memref<10000x144xf32, #tpu.memory_space<hbm>>, %arg3: memref<2560x2x125xi32, #tpu.memory_space<hbm>>, %arg4: memref<10000x144xf32, #tpu.memory_space<hbm>>, %arg5: memref<2x10000x144xf32, #tpu.memory_space<hbm>>, %arg6: memref<2x125xi32, #tpu.memory_space<vmem>>, %arg7: memref<2x125xi32, #tpu.memory_space<vmem>>, %arg8: memref<2x125xi32, #tpu.memory_space<vmem>>, %arg9: memref<2x125xi32, #tpu.memory_space<vmem>>, %arg10: memref<125x144xf32, #tpu.memory_space<vmem>>, %arg11: memref<125x144xf32, #tpu.memory_space<vmem>>, %arg12: memref<10000x144xf32, #tpu.memory_space<vmem_shared>>, %arg13: memref<!tpu.dma_semaphore, #tpu.memory_space<semaphore_mem>>, %arg14: memref<!tpu.dma_semaphore, #tpu.memory_space<semaphore_mem>>, %arg15: memref<!tpu.dma_semaphore, #tpu.memory_space<semaphore_mem>>, %arg16: memref<!tpu.dma_semaphore, #tpu.memory_space<semaphore_mem>>, %arg17: memref<!tpu.dma_semaphore, #tpu.memory_space<semaphore_mem>>, %arg18: memref<!tpu.dma_semaphore, #tpu.memory_space<semaphore_mem>>, %arg19: memref<!tpu.dma_semaphore, #tpu.memory_space<semaphore_mem>>, %arg20: memref<!tpu.dma_semaphore, #tpu.memory_space<semaphore_mem>>) attributes {dimension_semantics = [#tpu.dimension_semantics<core_parallel>, #tpu.dimension_semantics<subcore_parallel>], iteration_bounds = array<i64: 2, 16>, scalar_prefetch = 0 : i64, scratch_operands = 15 : i64, tpu.core_type = #tpu.core_type<sc_vector_subcore>, window_params = [{transform_indices = #map}, {transform_indices = #map1}, {transform_indices = #map}, {transform_indices = #map1}]} {
    %mul3A = arith.constant 16 : i32
    %mul3A_0 = arith.muli %arg0, %mul3A : i32
    %add3A = arith.addi %mul3A_0, %arg1 : i32
    %mul3A_1 = arith.constant 80 : i32
    %mul3A_2 = arith.muli %add3A, %mul3A_1 : i32
    %mul3A_3 = arith.constant 624 : i32
    %mul3A_4 = arith.muli %arg1, %mul3A_3 : i32
    %mul3A_5 = arith.constant 624 : i32
    %mul3A_6 = arith.muli %arg1, %mul3A_5 : i32
    "tpu.region"() ({
      %run_scoped3A = tpu.sem_alloc : memref<!tpu.dma_semaphore, #tpu.memory_space<semaphore_mem>>
      %dma_start3A_96 = arith.constant 0 : i32
      %dma_start3A_97 = tpu.memref_slice %arg12[%mul3A_6, %dma_start3A_96] : memref<10000x144xf32, #tpu.memory_space<vmem_shared>> -> memref<624x144xf32, #tpu.memory_space<vmem_shared>>
      %dma_start3A_98 = arith.constant 0 : i32
      %dma_start3A_99 = tpu.memref_slice %arg4[%mul3A_4, %dma_start3A_98] : memref<10000x144xf32, #tpu.memory_space<hbm>> -> memref<624x144xf32, #tpu.memory_space<hbm>>
      tpu.enqueue_dma source(%dma_start3A_99 : memref<624x144xf32, #tpu.memory_space<hbm>>) target(%dma_start3A_97 : memref<624x144xf32, #tpu.memory_space<vmem_shared>>) target_semaphore(%run_scoped3A : memref<!tpu.dma_semaphore, #tpu.memory_space<semaphore_mem>>)
      %dma_wait3A_100 = arith.constant 0 : i32
      %dma_wait3A_101 = tpu.memref_slice %arg12[%mul3A_6, %dma_wait3A_100] : memref<10000x144xf32, #tpu.memory_space<vmem_shared>> -> memref<624x144xf32, #tpu.memory_space<vmem_shared>>
      %dma_wait3A_102 = arith.constant 0 : i32
      %dma_wait3A_103 = tpu.memref_slice %arg4[%mul3A_4, %dma_wait3A_102] : memref<10000x144xf32, #tpu.memory_space<hbm>> -> memref<624x144xf32, #tpu.memory_space<hbm>>
      tpu.wait_dma2 semaphore(%run_scoped3A : memref<!tpu.dma_semaphore, #tpu.memory_space<semaphore_mem>>) src(%dma_wait3A_103 : memref<624x144xf32, #tpu.memory_space<hbm>>) dst(%dma_wait3A_101 : memref<624x144xf32, #tpu.memory_space<vmem_shared>>)
      tpu.yield
    }) : () -> ()
    %eq3A = arith.constant 0 : i32
    %eq3A_7 = arith.cmpi eq, %arg1, %eq3A : i32
    %convert_element_type3A = arith.extui %eq3A_7 : i1 to i32
    %cond3A = arith.constant 0 : i32
    %cond3A_8 = arith.cmpi ne, %convert_element_type3A, %cond3A : i32
    scf.if %cond3A_8 {
      "tpu.region"() ({
        %run_scoped3A = tpu.sem_alloc : memref<!tpu.dma_semaphore, #tpu.memory_space<semaphore_mem>>
        %dma_start3A_96 = arith.constant 9984 : i32
        %dma_start3A_97 = arith.constant 0 : i32
        %dma_start3A_98 = tpu.memref_slice %arg12[%dma_start3A_96, %dma_start3A_97] : memref<10000x144xf32, #tpu.memory_space<vmem_shared>> -> memref<16x144xf32, #tpu.memory_space<vmem_shared>>
        %dma_start3A_99 = arith.constant 9984 : i32
        %dma_start3A_100 = arith.constant 0 : i32
        %dma_start3A_101 = tpu.memref_slice %arg4[%dma_start3A_99, %dma_start3A_100] : memref<10000x144xf32, #tpu.memory_space<hbm>> -> memref<16x144xf32, #tpu.memory_space<hbm>>
        tpu.enqueue_dma source(%dma_start3A_101 : memref<16x144xf32, #tpu.memory_space<hbm>>) target(%dma_start3A_98 : memref<16x144xf32, #tpu.memory_space<vmem_shared>>) target_semaphore(%run_scoped3A : memref<!tpu.dma_semaphore, #tpu.memory_space<semaphore_mem>>)
        %dma_wait3A_102 = arith.constant 9984 : i32
        %dma_wait3A_103 = arith.constant 0 : i32
        %dma_wait3A_104 = tpu.memref_slice %arg12[%dma_wait3A_102, %dma_wait3A_103] : memref<10000x144xf32, #tpu.memory_space<vmem_shared>> -> memref<16x144xf32, #tpu.memory_space<vmem_shared>>
        %dma_wait3A_105 = arith.constant 9984 : i32
        %dma_wait3A_106 = arith.constant 0 : i32
        %dma_wait3A_107 = tpu.memref_slice %arg4[%dma_wait3A_105, %dma_wait3A_106] : memref<10000x144xf32, #tpu.memory_space<hbm>> -> memref<16x144xf32, #tpu.memory_space<hbm>>
        tpu.wait_dma2 semaphore(%run_scoped3A : memref<!tpu.dma_semaphore, #tpu.memory_space<semaphore_mem>>) src(%dma_wait3A_107 : memref<16x144xf32, #tpu.memory_space<hbm>>) dst(%dma_wait3A_104 : memref<16x144xf32, #tpu.memory_space<vmem_shared>>)
        tpu.yield
      }) : () -> ()
    } else {
    }
    %barrier3A = arith.constant 0 : index
    tpu.barrier barrier_id(%barrier3A)
    %add3A_9 = arith.constant 0 : i32
    %add3A_10 = arith.addi %mul3A_2, %add3A_9 : i32
    %dma_start3A = arith.constant 0 : i32
    %dma_start3A_11 = arith.constant 0 : i32
    %dma_start3A_12 = tpu.memref_slice %arg3[%add3A_10, %dma_start3A, %dma_start3A_11] : memref<2560x2x125xi32, #tpu.memory_space<hbm>> -> memref<1x2x125xi32, #tpu.memory_space<hbm>>
    %dma_start3A_13 = tpu.memref_squeeze %dma_start3A_12 : memref<1x2x125xi32, #tpu.memory_space<hbm>> -> memref<2x125xi32, #tpu.memory_space<hbm>>
    %dma_start3A_14 = arith.constant 0 : i32
    %dma_start3A_15 = arith.constant 0 : i32
    %dma_start3A_16 = tpu.memref_slice %arg3[%add3A_10, %dma_start3A_14, %dma_start3A_15] : memref<2560x2x125xi32, #tpu.memory_space<hbm>> -> memref<1x2x125xi32, #tpu.memory_space<hbm>>
    %dma_start3A_17 = tpu.memref_squeeze %dma_start3A_16 : memref<1x2x125xi32, #tpu.memory_space<hbm>> -> memref<2x125xi32, #tpu.memory_space<hbm>>
    tpu.enqueue_dma source(%dma_start3A_17 : memref<2x125xi32, #tpu.memory_space<hbm>>) target(%arg6 : memref<2x125xi32, #tpu.memory_space<vmem>>) target_semaphore(%arg13 : memref<!tpu.dma_semaphore, #tpu.memory_space<semaphore_mem>>)
    %add3A_18 = arith.constant 1 : i32
    %add3A_19 = arith.addi %mul3A_2, %add3A_18 : i32
    %dma_start3A_20 = arith.constant 0 : i32
    %dma_start3A_21 = arith.constant 0 : i32
    %dma_start3A_22 = tpu.memref_slice %arg3[%add3A_19, %dma_start3A_20, %dma_start3A_21] : memref<2560x2x125xi32, #tpu.memory_space<hbm>> -> memref<1x2x125xi32, #tpu.memory_space<hbm>>
    %dma_start3A_23 = tpu.memref_squeeze %dma_start3A_22 : memref<1x2x125xi32, #tpu.memory_space<hbm>> -> memref<2x125xi32, #tpu.memory_space<hbm>>
    %dma_start3A_24 = arith.constant 0 : i32
    %dma_start3A_25 = arith.constant 0 : i32
    %dma_start3A_26 = tpu.memref_slice %arg3[%add3A_19, %dma_start3A_24, %dma_start3A_25] : memref<2560x2x125xi32, #tpu.memory_space<hbm>> -> memref<1x2x125xi32, #tpu.memory_space<hbm>>
    %dma_start3A_27 = tpu.memref_squeeze %dma_start3A_26 : memref<1x2x125xi32, #tpu.memory_space<hbm>> -> memref<2x125xi32, #tpu.memory_space<hbm>>
    tpu.enqueue_dma source(%dma_start3A_27 : memref<2x125xi32, #tpu.memory_space<hbm>>) target(%arg7 : memref<2x125xi32, #tpu.memory_space<vmem>>) target_semaphore(%arg14 : memref<!tpu.dma_semaphore, #tpu.memory_space<semaphore_mem>>)
    %add3A_28 = arith.constant 2 : i32
    %add3A_29 = arith.addi %mul3A_2, %add3A_28 : i32
    %dma_start3A_30 = arith.constant 0 : i32
    %dma_start3A_31 = arith.constant 0 : i32
    %dma_start3A_32 = tpu.memref_slice %arg3[%add3A_29, %dma_start3A_30, %dma_start3A_31] : memref<2560x2x125xi32, #tpu.memory_space<hbm>> -> memref<1x2x125xi32, #tpu.memory_space<hbm>>
    %dma_start3A_33 = tpu.memref_squeeze %dma_start3A_32 : memref<1x2x125xi32, #tpu.memory_space<hbm>> -> memref<2x125xi32, #tpu.memory_space<hbm>>
    %dma_start3A_34 = arith.constant 0 : i32
    %dma_start3A_35 = arith.constant 0 : i32
    %dma_start3A_36 = tpu.memref_slice %arg3[%add3A_29, %dma_start3A_34, %dma_start3A_35] : memref<2560x2x125xi32, #tpu.memory_space<hbm>> -> memref<1x2x125xi32, #tpu.memory_space<hbm>>
    %dma_start3A_37 = tpu.memref_squeeze %dma_start3A_36 : memref<1x2x125xi32, #tpu.memory_space<hbm>> -> memref<2x125xi32, #tpu.memory_space<hbm>>
    tpu.enqueue_dma source(%dma_start3A_37 : memref<2x125xi32, #tpu.memory_space<hbm>>) target(%arg8 : memref<2x125xi32, #tpu.memory_space<vmem>>) target_semaphore(%arg15 : memref<!tpu.dma_semaphore, #tpu.memory_space<semaphore_mem>>)
    %add3A_38 = arith.constant 3 : i32
    %add3A_39 = arith.addi %mul3A_2, %add3A_38 : i32
    %dma_start3A_40 = arith.constant 0 : i32
    %dma_start3A_41 = arith.constant 0 : i32
    %dma_start3A_42 = tpu.memref_slice %arg3[%add3A_39, %dma_start3A_40, %dma_start3A_41] : memref<2560x2x125xi32, #tpu.memory_space<hbm>> -> memref<1x2x125xi32, #tpu.memory_space<hbm>>
    %dma_start3A_43 = tpu.memref_squeeze %dma_start3A_42 : memref<1x2x125xi32, #tpu.memory_space<hbm>> -> memref<2x125xi32, #tpu.memory_space<hbm>>
    %dma_start3A_44 = arith.constant 0 : i32
    %dma_start3A_45 = arith.constant 0 : i32
    %dma_start3A_46 = tpu.memref_slice %arg3[%add3A_39, %dma_start3A_44, %dma_start3A_45] : memref<2560x2x125xi32, #tpu.memory_space<hbm>> -> memref<1x2x125xi32, #tpu.memory_space<hbm>>
    %dma_start3A_47 = tpu.memref_squeeze %dma_start3A_46 : memref<1x2x125xi32, #tpu.memory_space<hbm>> -> memref<2x125xi32, #tpu.memory_space<hbm>>
    tpu.enqueue_dma source(%dma_start3A_47 : memref<2x125xi32, #tpu.memory_space<hbm>>) target(%arg9 : memref<2x125xi32, #tpu.memory_space<vmem>>) target_semaphore(%arg16 : memref<!tpu.dma_semaphore, #tpu.memory_space<semaphore_mem>>)
    %add3A_48 = arith.constant 0 : i32
    %add3A_49 = arith.addi %mul3A_2, %add3A_48 : i32
    %dma_wait3A = arith.constant 0 : i32
    %dma_wait3A_50 = arith.constant 0 : i32
    %dma_wait3A_51 = tpu.memref_slice %arg3[%add3A_49, %dma_wait3A, %dma_wait3A_50] : memref<2560x2x125xi32, #tpu.memory_space<hbm>> -> memref<1x2x125xi32, #tpu.memory_space<hbm>>
    %dma_wait3A_52 = tpu.memref_squeeze %dma_wait3A_51 : memref<1x2x125xi32, #tpu.memory_space<hbm>> -> memref<2x125xi32, #tpu.memory_space<hbm>>
    %dma_wait3A_53 = arith.constant 0 : i32
    %dma_wait3A_54 = arith.constant 0 : i32
    %dma_wait3A_55 = tpu.memref_slice %arg3[%add3A_49, %dma_wait3A_53, %dma_wait3A_54] : memref<2560x2x125xi32, #tpu.memory_space<hbm>> -> memref<1x2x125xi32, #tpu.memory_space<hbm>>
    %dma_wait3A_56 = tpu.memref_squeeze %dma_wait3A_55 : memref<1x2x125xi32, #tpu.memory_space<hbm>> -> memref<2x125xi32, #tpu.memory_space<hbm>>
    tpu.wait_dma2 semaphore(%arg13 : memref<!tpu.dma_semaphore, #tpu.memory_space<semaphore_mem>>) src(%dma_wait3A_56 : memref<2x125xi32, #tpu.memory_space<hbm>>) dst(%arg6 : memref<2x125xi32, #tpu.memory_space<vmem>>)
    %dma_start3A_57 = arith.constant 0 : i32
    %dma_start3A_58 = arith.constant 0 : i32
    %dma_start3A_59 = tpu.memref_slice %arg6[%dma_start3A_57, %dma_start3A_58] : memref<2x125xi32, #tpu.memory_space<vmem>> -> memref<1x125xi32, #tpu.memory_space<vmem>>
    %dma_start3A_60 = tpu.memref_squeeze %dma_start3A_59 : memref<1x125xi32, #tpu.memory_space<vmem>> -> memref<125xi32, #tpu.memory_space<vmem>>
    %dma_start3A_61 = arith.constant 0 : i32
    %dma_start3A_62 = arith.constant 0 : i32
    %dma_start3A_63 = tpu.memref_slice %arg2[%dma_start3A_61, %dma_start3A_62] : memref<10000x144xf32, #tpu.memory_space<hbm>> -> memref<10000x144xf32, #tpu.memory_space<hbm>>
    tpu.enqueue_indirect_dma source(%dma_start3A_63 : memref<10000x144xf32, #tpu.memory_space<hbm>>) target(%arg10 : memref<125x144xf32, #tpu.memory_space<vmem>>) offsets(%dma_start3A_60 : memref<125xi32, #tpu.memory_space<vmem>>) semaphore(%arg17 : memref<!tpu.dma_semaphore, #tpu.memory_space<semaphore_mem>>)
    %add3A_64 = arith.constant 1 : i32
    %add3A_65 = arith.addi %mul3A_2, %add3A_64 : i32
    %dma_wait3A_66 = arith.constant 0 : i32
    %dma_wait3A_67 = arith.constant 0 : i32
    %dma_wait3A_68 = tpu.memref_slice %arg3[%add3A_65, %dma_wait3A_66, %dma_wait3A_67] : memref<2560x2x125xi32, #tpu.memory_space<hbm>> -> memref<1x2x125xi32, #tpu.memory_space<hbm>>
    %dma_wait3A_69 = tpu.memref_squeeze %dma_wait3A_68 : memref<1x2x125xi32, #tpu.memory_space<hbm>> -> memref<2x125xi32, #tpu.memory_space<hbm>>
    %dma_wait3A_70 = arith.constant 0 : i32
    %dma_wait3A_71 = arith.constant 0 : i32
    %dma_wait3A_72 = tpu.memref_slice %arg3[%add3A_65, %dma_wait3A_70, %dma_wait3A_71] : memref<2560x2x125xi32, #tpu.memory_space<hbm>> -> memref<1x2x125xi32, #tpu.memory_space<hbm>>
    %dma_wait3A_73 = tpu.memref_squeeze %dma_wait3A_72 : memref<1x2x125xi32, #tpu.memory_space<hbm>> -> memref<2x125xi32, #tpu.memory_space<hbm>>
    tpu.wait_dma2 semaphore(%arg14 : memref<!tpu.dma_semaphore, #tpu.memory_space<semaphore_mem>>) src(%dma_wait3A_73 : memref<2x125xi32, #tpu.memory_space<hbm>>) dst(%arg7 : memref<2x125xi32, #tpu.memory_space<vmem>>)
    %dma_start3A_74 = arith.constant 0 : i32
    %dma_start3A_75 = arith.constant 0 : i32
    %dma_start3A_76 = tpu.memref_slice %arg7[%dma_start3A_74, %dma_start3A_75] : memref<2x125xi32, #tpu.memory_space<vmem>> -> memref<1x125xi32, #tpu.memory_space<vmem>>
    %dma_start3A_77 = tpu.memref_squeeze %dma_start3A_76 : memref<1x125xi32, #tpu.memory_space<vmem>> -> memref<125xi32, #tpu.memory_space<vmem>>
    %dma_start3A_78 = arith.constant 0 : i32
    %dma_start3A_79 = arith.constant 0 : i32
    %dma_start3A_80 = tpu.memref_slice %arg2[%dma_start3A_78, %dma_start3A_79] : memref<10000x144xf32, #tpu.memory_space<hbm>> -> memref<10000x144xf32, #tpu.memory_space<hbm>>
    tpu.enqueue_indirect_dma source(%dma_start3A_80 : memref<10000x144xf32, #tpu.memory_space<hbm>>) target(%arg11 : memref<125x144xf32, #tpu.memory_space<vmem>>) offsets(%dma_start3A_77 : memref<125xi32, #tpu.memory_space<vmem>>) semaphore(%arg18 : memref<!tpu.dma_semaphore, #tpu.memory_space<semaphore_mem>>)
    %scan3A = arith.constant 0 : i32
    %scan3A_81 = arith.constant 0 : i32
    %scan3A_82 = arith.constant 20 : i32
    %scan3A_83 = arith.addi %scan3A_81, %scan3A_82 : i32
    %scan3A_84 = arith.constant 1 : i32
    scf.for %scan3A_96 = %scan3A_81 to %scan3A_83 step %scan3A_84  : i32 {
      %mul3A_97 = arith.constant 4 : i32
      %mul3A_98 = arith.muli %mul3A_97, %scan3A_96 : i32
      %add3A_99 = arith.constant 0 : i32
      %add3A_100 = arith.addi %mul3A_98, %add3A_99 : i32
      %dma_wait3A_101 = arith.constant 0 : i32
      %dma_wait3A_102 = arith.constant 0 : i32
      %dma_wait3A_103 = tpu.memref_slice %arg6[%dma_wait3A_101, %dma_wait3A_102] : memref<2x125xi32, #tpu.memory_space<vmem>> -> memref<1x125xi32, #tpu.memory_space<vmem>>
      %dma_wait3A_104 = tpu.memref_squeeze %dma_wait3A_103 : memref<1x125xi32, #tpu.memory_space<vmem>> -> memref<125xi32, #tpu.memory_space<vmem>>
      %dma_wait3A_105 = arith.constant 0 : i32
      %dma_wait3A_106 = arith.constant 0 : i32
      %dma_wait3A_107 = tpu.memref_slice %arg2[%dma_wait3A_105, %dma_wait3A_106] : memref<10000x144xf32, #tpu.memory_space<hbm>> -> memref<10000x144xf32, #tpu.memory_space<hbm>>
      tpu.wait_indirect_dma semaphore(%arg17 : memref<!tpu.dma_semaphore, #tpu.memory_space<semaphore_mem>>) src(%dma_wait3A_107 : memref<10000x144xf32, #tpu.memory_space<hbm>>) dst(%arg10 : memref<125x144xf32, #tpu.memory_space<vmem>>)
      %dma_start3A_108 = arith.constant 1 : i32
      %dma_start3A_109 = arith.constant 0 : i32
      %dma_start3A_110 = tpu.memref_slice %arg6[%dma_start3A_108, %dma_start3A_109] : memref<2x125xi32, #tpu.memory_space<vmem>> -> memref<1x125xi32, #tpu.memory_space<vmem>>
      %dma_start3A_111 = tpu.memref_squeeze %dma_start3A_110 : memref<1x125xi32, #tpu.memory_space<vmem>> -> memref<125xi32, #tpu.memory_space<vmem>>
      %dma_start3A_112 = arith.constant 0 : i32
      %dma_start3A_113 = arith.constant 0 : i32
      %dma_start3A_114 = tpu.memref_slice %arg12[%dma_start3A_112, %dma_start3A_113] : memref<10000x144xf32, #tpu.memory_space<vmem_shared>> -> memref<10000x144xf32, #tpu.memory_space<vmem_shared>>
      tpu.enqueue_indirect_dma source(%arg10 : memref<125x144xf32, #tpu.memory_space<vmem>>) target(%dma_start3A_114 : memref<10000x144xf32, #tpu.memory_space<vmem_shared>>) offsets(%dma_start3A_111 : memref<125xi32, #tpu.memory_space<vmem>>) semaphore(%arg19 : memref<!tpu.dma_semaphore, #tpu.memory_space<semaphore_mem>>) {add = true}
      %dma_wait3A_115 = arith.constant 1 : i32
      %dma_wait3A_116 = arith.constant 0 : i32
      %dma_wait3A_117 = tpu.memref_slice %arg6[%dma_wait3A_115, %dma_wait3A_116] : memref<2x125xi32, #tpu.memory_space<vmem>> -> memref<1x125xi32, #tpu.memory_space<vmem>>
      %dma_wait3A_118 = tpu.memref_squeeze %dma_wait3A_117 : memref<1x125xi32, #tpu.memory_space<vmem>> -> memref<125xi32, #tpu.memory_space<vmem>>
      %dma_wait3A_119 = arith.constant 0 : i32
      %dma_wait3A_120 = arith.constant 0 : i32
      %dma_wait3A_121 = tpu.memref_slice %arg12[%dma_wait3A_119, %dma_wait3A_120] : memref<10000x144xf32, #tpu.memory_space<vmem_shared>> -> memref<10000x144xf32, #tpu.memory_space<vmem_shared>>
      tpu.wait_indirect_dma semaphore(%arg19 : memref<!tpu.dma_semaphore, #tpu.memory_space<semaphore_mem>>) src(%arg10 : memref<125x144xf32, #tpu.memory_space<vmem>>) dst(%dma_wait3A_121 : memref<10000x144xf32, #tpu.memory_space<vmem_shared>>)
      %add3A_122 = arith.constant 2 : i32
      %add3A_123 = arith.addi %add3A_100, %add3A_122 : i32
      %lt3A = arith.constant 80 : i32
      %lt3A_124 = arith.cmpi slt, %add3A_123, %lt3A : i32
      %convert_element_type3A_125 = arith.extui %lt3A_124 : i1 to i32
      %cond3A_126 = arith.constant 0 : i32
      %cond3A_127 = arith.cmpi ne, %convert_element_type3A_125, %cond3A_126 : i32
      scf.if %cond3A_127 {
        %add3A_252 = arith.addi %mul3A_2, %add3A_100 : i32
        %add3A_253 = arith.constant 2 : i32
        %add3A_254 = arith.addi %add3A_252, %add3A_253 : i32
        %dma_wait3A_255 = arith.constant 0 : i32
        %dma_wait3A_256 = arith.constant 0 : i32
        %dma_wait3A_257 = tpu.memref_slice %arg3[%add3A_254, %dma_wait3A_255, %dma_wait3A_256] : memref<2560x2x125xi32, #tpu.memory_space<hbm>> -> memref<1x2x125xi32, #tpu.memory_space<hbm>>
        %dma_wait3A_258 = tpu.memref_squeeze %dma_wait3A_257 : memref<1x2x125xi32, #tpu.memory_space<hbm>> -> memref<2x125xi32, #tpu.memory_space<hbm>>
        %dma_wait3A_259 = arith.constant 0 : i32
        %dma_wait3A_260 = arith.constant 0 : i32
        %dma_wait3A_261 = tpu.memref_slice %arg3[%add3A_254, %dma_wait3A_259, %dma_wait3A_260] : memref<2560x2x125xi32, #tpu.memory_space<hbm>> -> memref<1x2x125xi32, #tpu.memory_space<hbm>>
        %dma_wait3A_262 = tpu.memref_squeeze %dma_wait3A_261 : memref<1x2x125xi32, #tpu.memory_space<hbm>> -> memref<2x125xi32, #tpu.memory_space<hbm>>
        tpu.wait_dma2 semaphore(%arg15 : memref<!tpu.dma_semaphore, #tpu.memory_space<semaphore_mem>>) src(%dma_wait3A_262 : memref<2x125xi32, #tpu.memory_space<hbm>>) dst(%arg8 : memref<2x125xi32, #tpu.memory_space<vmem>>)
        %dma_start3A_263 = arith.constant 0 : i32
        %dma_start3A_264 = arith.constant 0 : i32
        %dma_start3A_265 = tpu.memref_slice %arg8[%dma_start3A_263, %dma_start3A_264] : memref<2x125xi32, #tpu.memory_space<vmem>> -> memref<1x125xi32, #tpu.memory_space<vmem>>
        %dma_start3A_266 = tpu.memref_squeeze %dma_start3A_265 : memref<1x125xi32, #tpu.memory_space<vmem>> -> memref<125xi32, #tpu.memory_space<vmem>>
        %dma_start3A_267 = arith.constant 0 : i32
        %dma_start3A_268 = arith.constant 0 : i32
        %dma_start3A_269 = tpu.memref_slice %arg2[%dma_start3A_267, %dma_start3A_268] : memref<10000x144xf32, #tpu.memory_space<hbm>> -> memref<10000x144xf32, #tpu.memory_space<hbm>>
        tpu.enqueue_indirect_dma source(%dma_start3A_269 : memref<10000x144xf32, #tpu.memory_space<hbm>>) target(%arg10 : memref<125x144xf32, #tpu.memory_space<vmem>>) offsets(%dma_start3A_266 : memref<125xi32, #tpu.memory_space<vmem>>) semaphore(%arg17 : memref<!tpu.dma_semaphore, #tpu.memory_space<semaphore_mem>>)
      } else {
      }
      %add3A_128 = arith.constant 4 : i32
      %add3A_129 = arith.addi %add3A_100, %add3A_128 : i32
      %lt3A_130 = arith.constant 80 : i32
      %lt3A_131 = arith.cmpi slt, %add3A_129, %lt3A_130 : i32
      %convert_element_type3A_132 = arith.extui %lt3A_131 : i1 to i32
      %cond3A_133 = arith.constant 0 : i32
      %cond3A_134 = arith.cmpi ne, %convert_element_type3A_132, %cond3A_133 : i32
      scf.if %cond3A_134 {
        %add3A_252 = arith.addi %mul3A_2, %add3A_100 : i32
        %add3A_253 = arith.constant 4 : i32
        %add3A_254 = arith.addi %add3A_252, %add3A_253 : i32
        %dma_start3A_255 = arith.constant 0 : i32
        %dma_start3A_256 = arith.constant 0 : i32
        %dma_start3A_257 = tpu.memref_slice %arg3[%add3A_254, %dma_start3A_255, %dma_start3A_256] : memref<2560x2x125xi32, #tpu.memory_space<hbm>> -> memref<1x2x125xi32, #tpu.memory_space<hbm>>
        %dma_start3A_258 = tpu.memref_squeeze %dma_start3A_257 : memref<1x2x125xi32, #tpu.memory_space<hbm>> -> memref<2x125xi32, #tpu.memory_space<hbm>>
        %dma_start3A_259 = arith.constant 0 : i32
        %dma_start3A_260 = arith.constant 0 : i32
        %dma_start3A_261 = tpu.memref_slice %arg3[%add3A_254, %dma_start3A_259, %dma_start3A_260] : memref<2560x2x125xi32, #tpu.memory_space<hbm>> -> memref<1x2x125xi32, #tpu.memory_space<hbm>>
        %dma_start3A_262 = tpu.memref_squeeze %dma_start3A_261 : memref<1x2x125xi32, #tpu.memory_space<hbm>> -> memref<2x125xi32, #tpu.memory_space<hbm>>
        tpu.enqueue_dma source(%dma_start3A_262 : memref<2x125xi32, #tpu.memory_space<hbm>>) target(%arg6 : memref<2x125xi32, #tpu.memory_space<vmem>>) target_semaphore(%arg13 : memref<!tpu.dma_semaphore, #tpu.memory_space<semaphore_mem>>)
      } else {
      }
      %mul3A_135 = arith.constant 4 : i32
      %mul3A_136 = arith.muli %mul3A_135, %scan3A_96 : i32
      %add3A_137 = arith.constant 1 : i32
      %add3A_138 = arith.addi %mul3A_136, %add3A_137 : i32
      %dma_wait3A_139 = arith.constant 0 : i32
      %dma_wait3A_140 = arith.constant 0 : i32
      %dma_wait3A_141 = tpu.memref_slice %arg7[%dma_wait3A_139, %dma_wait3A_140] : memref<2x125xi32, #tpu.memory_space<vmem>> -> memref<1x125xi32, #tpu.memory_space<vmem>>
      %dma_wait3A_142 = tpu.memref_squeeze %dma_wait3A_141 : memref<1x125xi32, #tpu.memory_space<vmem>> -> memref<125xi32, #tpu.memory_space<vmem>>
      %dma_wait3A_143 = arith.constant 0 : i32
      %dma_wait3A_144 = arith.constant 0 : i32
      %dma_wait3A_145 = tpu.memref_slice %arg2[%dma_wait3A_143, %dma_wait3A_144] : memref<10000x144xf32, #tpu.memory_space<hbm>> -> memref<10000x144xf32, #tpu.memory_space<hbm>>
      tpu.wait_indirect_dma semaphore(%arg18 : memref<!tpu.dma_semaphore, #tpu.memory_space<semaphore_mem>>) src(%dma_wait3A_145 : memref<10000x144xf32, #tpu.memory_space<hbm>>) dst(%arg11 : memref<125x144xf32, #tpu.memory_space<vmem>>)
      %dma_start3A_146 = arith.constant 1 : i32
      %dma_start3A_147 = arith.constant 0 : i32
      %dma_start3A_148 = tpu.memref_slice %arg7[%dma_start3A_146, %dma_start3A_147] : memref<2x125xi32, #tpu.memory_space<vmem>> -> memref<1x125xi32, #tpu.memory_space<vmem>>
      %dma_start3A_149 = tpu.memref_squeeze %dma_start3A_148 : memref<1x125xi32, #tpu.memory_space<vmem>> -> memref<125xi32, #tpu.memory_space<vmem>>
      %dma_start3A_150 = arith.constant 0 : i32
      %dma_start3A_151 = arith.constant 0 : i32
      %dma_start3A_152 = tpu.memref_slice %arg12[%dma_start3A_150, %dma_start3A_151] : memref<10000x144xf32, #tpu.memory_space<vmem_shared>> -> memref<10000x144xf32, #tpu.memory_space<vmem_shared>>
      tpu.enqueue_indirect_dma source(%arg11 : memref<125x144xf32, #tpu.memory_space<vmem>>) target(%dma_start3A_152 : memref<10000x144xf32, #tpu.memory_space<vmem_shared>>) offsets(%dma_start3A_149 : memref<125xi32, #tpu.memory_space<vmem>>) semaphore(%arg20 : memref<!tpu.dma_semaphore, #tpu.memory_space<semaphore_mem>>) {add = true}
      %dma_wait3A_153 = arith.constant 1 : i32
      %dma_wait3A_154 = arith.constant 0 : i32
      %dma_wait3A_155 = tpu.memref_slice %arg7[%dma_wait3A_153, %dma_wait3A_154] : memref<2x125xi32, #tpu.memory_space<vmem>> -> memref<1x125xi32, #tpu.memory_space<vmem>>
      %dma_wait3A_156 = tpu.memref_squeeze %dma_wait3A_155 : memref<1x125xi32, #tpu.memory_space<vmem>> -> memref<125xi32, #tpu.memory_space<vmem>>
      %dma_wait3A_157 = arith.constant 0 : i32
      %dma_wait3A_158 = arith.constant 0 : i32
      %dma_wait3A_159 = tpu.memref_slice %arg12[%dma_wait3A_157, %dma_wait3A_158] : memref<10000x144xf32, #tpu.memory_space<vmem_shared>> -> memref<10000x144xf32, #tpu.memory_space<vmem_shared>>
      tpu.wait_indirect_dma semaphore(%arg20 : memref<!tpu.dma_semaphore, #tpu.memory_space<semaphore_mem>>) src(%arg11 : memref<125x144xf32, #tpu.memory_space<vmem>>) dst(%dma_wait3A_159 : memref<10000x144xf32, #tpu.memory_space<vmem_shared>>)
      %add3A_160 = arith.constant 2 : i32
      %add3A_161 = arith.addi %add3A_138, %add3A_160 : i32
      %lt3A_162 = arith.constant 80 : i32
      %lt3A_163 = arith.cmpi slt, %add3A_161, %lt3A_162 : i32
      %convert_element_type3A_164 = arith.extui %lt3A_163 : i1 to i32
      %cond3A_165 = arith.constant 0 : i32
      %cond3A_166 = arith.cmpi ne, %convert_element_type3A_164, %cond3A_165 : i32
      scf.if %cond3A_166 {
        %add3A_252 = arith.addi %mul3A_2, %add3A_138 : i32
        %add3A_253 = arith.constant 2 : i32
        %add3A_254 = arith.addi %add3A_252, %add3A_253 : i32
        %dma_wait3A_255 = arith.constant 0 : i32
        %dma_wait3A_256 = arith.constant 0 : i32
        %dma_wait3A_257 = tpu.memref_slice %arg3[%add3A_254, %dma_wait3A_255, %dma_wait3A_256] : memref<2560x2x125xi32, #tpu.memory_space<hbm>> -> memref<1x2x125xi32, #tpu.memory_space<hbm>>
        %dma_wait3A_258 = tpu.memref_squeeze %dma_wait3A_257 : memref<1x2x125xi32, #tpu.memory_space<hbm>> -> memref<2x125xi32, #tpu.memory_space<hbm>>
        %dma_wait3A_259 = arith.constant 0 : i32
        %dma_wait3A_260 = arith.constant 0 : i32
        %dma_wait3A_261 = tpu.memref_slice %arg3[%add3A_254, %dma_wait3A_259, %dma_wait3A_260] : memref<2560x2x125xi32, #tpu.memory_space<hbm>> -> memref<1x2x125xi32, #tpu.memory_space<hbm>>
        %dma_wait3A_262 = tpu.memref_squeeze %dma_wait3A_261 : memref<1x2x125xi32, #tpu.memory_space<hbm>> -> memref<2x125xi32, #tpu.memory_space<hbm>>
        tpu.wait_dma2 semaphore(%arg16 : memref<!tpu.dma_semaphore, #tpu.memory_space<semaphore_mem>>) src(%dma_wait3A_262 : memref<2x125xi32, #tpu.memory_space<hbm>>) dst(%arg9 : memref<2x125xi32, #tpu.memory_space<vmem>>)
        %dma_start3A_263 = arith.constant 0 : i32
        %dma_start3A_264 = arith.constant 0 : i32
        %dma_start3A_265 = tpu.memref_slice %arg9[%dma_start3A_263, %dma_start3A_264] : memref<2x125xi32, #tpu.memory_space<vmem>> -> memref<1x125xi32, #tpu.memory_space<vmem>>
        %dma_start3A_266 = tpu.memref_squeeze %dma_start3A_265 : memref<1x125xi32, #tpu.memory_space<vmem>> -> memref<125xi32, #tpu.memory_space<vmem>>
        %dma_start3A_267 = arith.constant 0 : i32
        %dma_start3A_268 = arith.constant 0 : i32
        %dma_start3A_269 = tpu.memref_slice %arg2[%dma_start3A_267, %dma_start3A_268] : memref<10000x144xf32, #tpu.memory_space<hbm>> -> memref<10000x144xf32, #tpu.memory_space<hbm>>
        tpu.enqueue_indirect_dma source(%dma_start3A_269 : memref<10000x144xf32, #tpu.memory_space<hbm>>) target(%arg11 : memref<125x144xf32, #tpu.memory_space<vmem>>) offsets(%dma_start3A_266 : memref<125xi32, #tpu.memory_space<vmem>>) semaphore(%arg18 : memref<!tpu.dma_semaphore, #tpu.memory_space<semaphore_mem>>)
      } else {
      }
      %add3A_167 = arith.constant 4 : i32
      %add3A_168 = arith.addi %add3A_138, %add3A_167 : i32
      %lt3A_169 = arith.constant 80 : i32
      %lt3A_170 = arith.cmpi slt, %add3A_168, %lt3A_169 : i32
      %convert_element_type3A_171 = arith.extui %lt3A_170 : i1 to i32
      %cond3A_172 = arith.constant 0 : i32
      %cond3A_173 = arith.cmpi ne, %convert_element_type3A_171, %cond3A_172 : i32
      scf.if %cond3A_173 {
        %add3A_252 = arith.addi %mul3A_2, %add3A_138 : i32
        %add3A_253 = arith.constant 4 : i32
        %add3A_254 = arith.addi %add3A_252, %add3A_253 : i32
        %dma_start3A_255 = arith.constant 0 : i32
        %dma_start3A_256 = arith.constant 0 : i32
        %dma_start3A_257 = tpu.memref_slice %arg3[%add3A_254, %dma_start3A_255, %dma_start3A_256] : memref<2560x2x125xi32, #tpu.memory_space<hbm>> -> memref<1x2x125xi32, #tpu.memory_space<hbm>>
        %dma_start3A_258 = tpu.memref_squeeze %dma_start3A_257 : memref<1x2x125xi32, #tpu.memory_space<hbm>> -> memref<2x125xi32, #tpu.memory_space<hbm>>
        %dma_start3A_259 = arith.constant 0 : i32
        %dma_start3A_260 = arith.constant 0 : i32
        %dma_start3A_261 = tpu.memref_slice %arg3[%add3A_254, %dma_start3A_259, %dma_start3A_260] : memref<2560x2x125xi32, #tpu.memory_space<hbm>> -> memref<1x2x125xi32, #tpu.memory_space<hbm>>
        %dma_start3A_262 = tpu.memref_squeeze %dma_start3A_261 : memref<1x2x125xi32, #tpu.memory_space<hbm>> -> memref<2x125xi32, #tpu.memory_space<hbm>>
        tpu.enqueue_dma source(%dma_start3A_262 : memref<2x125xi32, #tpu.memory_space<hbm>>) target(%arg7 : memref<2x125xi32, #tpu.memory_space<vmem>>) target_semaphore(%arg14 : memref<!tpu.dma_semaphore, #tpu.memory_space<semaphore_mem>>)
      } else {
      }
      %mul3A_174 = arith.constant 4 : i32
      %mul3A_175 = arith.muli %mul3A_174, %scan3A_96 : i32
      %add3A_176 = arith.constant 2 : i32
      %add3A_177 = arith.addi %mul3A_175, %add3A_176 : i32
      %dma_wait3A_178 = arith.constant 0 : i32
      %dma_wait3A_179 = arith.constant 0 : i32
      %dma_wait3A_180 = tpu.memref_slice %arg8[%dma_wait3A_178, %dma_wait3A_179] : memref<2x125xi32, #tpu.memory_space<vmem>> -> memref<1x125xi32, #tpu.memory_space<vmem>>
      %dma_wait3A_181 = tpu.memref_squeeze %dma_wait3A_180 : memref<1x125xi32, #tpu.memory_space<vmem>> -> memref<125xi32, #tpu.memory_space<vmem>>
      %dma_wait3A_182 = arith.constant 0 : i32
      %dma_wait3A_183 = arith.constant 0 : i32
      %dma_wait3A_184 = tpu.memref_slice %arg2[%dma_wait3A_182, %dma_wait3A_183] : memref<10000x144xf32, #tpu.memory_space<hbm>> -> memref<10000x144xf32, #tpu.memory_space<hbm>>
      tpu.wait_indirect_dma semaphore(%arg17 : memref<!tpu.dma_semaphore, #tpu.memory_space<semaphore_mem>>) src(%dma_wait3A_184 : memref<10000x144xf32, #tpu.memory_space<hbm>>) dst(%arg10 : memref<125x144xf32, #tpu.memory_space<vmem>>)
      %dma_start3A_185 = arith.constant 1 : i32
      %dma_start3A_186 = arith.constant 0 : i32
      %dma_start3A_187 = tpu.memref_slice %arg8[%dma_start3A_185, %dma_start3A_186] : memref<2x125xi32, #tpu.memory_space<vmem>> -> memref<1x125xi32, #tpu.memory_space<vmem>>
      %dma_start3A_188 = tpu.memref_squeeze %dma_start3A_187 : memref<1x125xi32, #tpu.memory_space<vmem>> -> memref<125xi32, #tpu.memory_space<vmem>>
      %dma_start3A_189 = arith.constant 0 : i32
      %dma_start3A_190 = arith.constant 0 : i32
      %dma_start3A_191 = tpu.memref_slice %arg12[%dma_start3A_189, %dma_start3A_190] : memref<10000x144xf32, #tpu.memory_space<vmem_shared>> -> memref<10000x144xf32, #tpu.memory_space<vmem_shared>>
      tpu.enqueue_indirect_dma source(%arg10 : memref<125x144xf32, #tpu.memory_space<vmem>>) target(%dma_start3A_191 : memref<10000x144xf32, #tpu.memory_space<vmem_shared>>) offsets(%dma_start3A_188 : memref<125xi32, #tpu.memory_space<vmem>>) semaphore(%arg19 : memref<!tpu.dma_semaphore, #tpu.memory_space<semaphore_mem>>) {add = true}
      %dma_wait3A_192 = arith.constant 1 : i32
      %dma_wait3A_193 = arith.constant 0 : i32
      %dma_wait3A_194 = tpu.memref_slice %arg8[%dma_wait3A_192, %dma_wait3A_193] : memref<2x125xi32, #tpu.memory_space<vmem>> -> memref<1x125xi32, #tpu.memory_space<vmem>>
      %dma_wait3A_195 = tpu.memref_squeeze %dma_wait3A_194 : memref<1x125xi32, #tpu.memory_space<vmem>> -> memref<125xi32, #tpu.memory_space<vmem>>
      %dma_wait3A_196 = arith.constant 0 : i32
      %dma_wait3A_197 = arith.constant 0 : i32
      %dma_wait3A_198 = tpu.memref_slice %arg12[%dma_wait3A_196, %dma_wait3A_197] : memref<10000x144xf32, #tpu.memory_space<vmem_shared>> -> memref<10000x144xf32, #tpu.memory_space<vmem_shared>>
      tpu.wait_indirect_dma semaphore(%arg19 : memref<!tpu.dma_semaphore, #tpu.memory_space<semaphore_mem>>) src(%arg10 : memref<125x144xf32, #tpu.memory_space<vmem>>) dst(%dma_wait3A_198 : memref<10000x144xf32, #tpu.memory_space<vmem_shared>>)
      %add3A_199 = arith.constant 2 : i32
      %add3A_200 = arith.addi %add3A_177, %add3A_199 : i32
      %lt3A_201 = arith.constant 80 : i32
      %lt3A_202 = arith.cmpi slt, %add3A_200, %lt3A_201 : i32
      %convert_element_type3A_203 = arith.extui %lt3A_202 : i1 to i32
      %cond3A_204 = arith.constant 0 : i32
      %cond3A_205 = arith.cmpi ne, %convert_element_type3A_203, %cond3A_204 : i32
      scf.if %cond3A_205 {
        %add3A_252 = arith.addi %mul3A_2, %add3A_177 : i32
        %add3A_253 = arith.constant 2 : i32
        %add3A_254 = arith.addi %add3A_252, %add3A_253 : i32
        %dma_wait3A_255 = arith.constant 0 : i32
        %dma_wait3A_256 = arith.constant 0 : i32
        %dma_wait3A_257 = tpu.memref_slice %arg3[%add3A_254, %dma_wait3A_255, %dma_wait3A_256] : memref<2560x2x125xi32, #tpu.memory_space<hbm>> -> memref<1x2x125xi32, #tpu.memory_space<hbm>>
        %dma_wait3A_258 = tpu.memref_squeeze %dma_wait3A_257 : memref<1x2x125xi32, #tpu.memory_space<hbm>> -> memref<2x125xi32, #tpu.memory_space<hbm>>
        %dma_wait3A_259 = arith.constant 0 : i32
        %dma_wait3A_260 = arith.constant 0 : i32
        %dma_wait3A_261 = tpu.memref_slice %arg3[%add3A_254, %dma_wait3A_259, %dma_wait3A_260] : memref<2560x2x125xi32, #tpu.memory_space<hbm>> -> memref<1x2x125xi32, #tpu.memory_space<hbm>>
        %dma_wait3A_262 = tpu.memref_squeeze %dma_wait3A_261 : memref<1x2x125xi32, #tpu.memory_space<hbm>> -> memref<2x125xi32, #tpu.memory_space<hbm>>
        tpu.wait_dma2 semaphore(%arg13 : memref<!tpu.dma_semaphore, #tpu.memory_space<semaphore_mem>>) src(%dma_wait3A_262 : memref<2x125xi32, #tpu.memory_space<hbm>>) dst(%arg6 : memref<2x125xi32, #tpu.memory_space<vmem>>)
        %dma_start3A_263 = arith.constant 0 : i32
        %dma_start3A_264 = arith.constant 0 : i32
        %dma_start3A_265 = tpu.memref_slice %arg6[%dma_start3A_263, %dma_start3A_264] : memref<2x125xi32, #tpu.memory_space<vmem>> -> memref<1x125xi32, #tpu.memory_space<vmem>>
        %dma_start3A_266 = tpu.memref_squeeze %dma_start3A_265 : memref<1x125xi32, #tpu.memory_space<vmem>> -> memref<125xi32, #tpu.memory_space<vmem>>
        %dma_start3A_267 = arith.constant 0 : i32
        %dma_start3A_268 = arith.constant 0 : i32
        %dma_start3A_269 = tpu.memref_slice %arg2[%dma_start3A_267, %dma_start3A_268] : memref<10000x144xf32, #tpu.memory_space<hbm>> -> memref<10000x144xf32, #tpu.memory_space<hbm>>
        tpu.enqueue_indirect_dma source(%dma_start3A_269 : memref<10000x144xf32, #tpu.memory_space<hbm>>) target(%arg10 : memref<125x144xf32, #tpu.memory_space<vmem>>) offsets(%dma_start3A_266 : memref<125xi32, #tpu.memory_space<vmem>>) semaphore(%arg17 : memref<!tpu.dma_semaphore, #tpu.memory_space<semaphore_mem>>)
      } else {
      }
      %add3A_206 = arith.constant 4 : i32
      %add3A_207 = arith.addi %add3A_177, %add3A_206 : i32
      %lt3A_208 = arith.constant 80 : i32
      %lt3A_209 = arith.cmpi slt, %add3A_207, %lt3A_208 : i32
      %convert_element_type3A_210 = arith.extui %lt3A_209 : i1 to i32
      %cond3A_211 = arith.constant 0 : i32
      %cond3A_212 = arith.cmpi ne, %convert_element_type3A_210, %cond3A_211 : i32
      scf.if %cond3A_212 {
        %add3A_252 = arith.addi %mul3A_2, %add3A_177 : i32
        %add3A_253 = arith.constant 4 : i32
        %add3A_254 = arith.addi %add3A_252, %add3A_253 : i32
        %dma_start3A_255 = arith.constant 0 : i32
        %dma_start3A_256 = arith.constant 0 : i32
        %dma_start3A_257 = tpu.memref_slice %arg3[%add3A_254, %dma_start3A_255, %dma_start3A_256] : memref<2560x2x125xi32, #tpu.memory_space<hbm>> -> memref<1x2x125xi32, #tpu.memory_space<hbm>>
        %dma_start3A_258 = tpu.memref_squeeze %dma_start3A_257 : memref<1x2x125xi32, #tpu.memory_space<hbm>> -> memref<2x125xi32, #tpu.memory_space<hbm>>
        %dma_start3A_259 = arith.constant 0 : i32
        %dma_start3A_260 = arith.constant 0 : i32
        %dma_start3A_261 = tpu.memref_slice %arg3[%add3A_254, %dma_start3A_259, %dma_start3A_260] : memref<2560x2x125xi32, #tpu.memory_space<hbm>> -> memref<1x2x125xi32, #tpu.memory_space<hbm>>
        %dma_start3A_262 = tpu.memref_squeeze %dma_start3A_261 : memref<1x2x125xi32, #tpu.memory_space<hbm>> -> memref<2x125xi32, #tpu.memory_space<hbm>>
        tpu.enqueue_dma source(%dma_start3A_262 : memref<2x125xi32, #tpu.memory_space<hbm>>) target(%arg8 : memref<2x125xi32, #tpu.memory_space<vmem>>) target_semaphore(%arg15 : memref<!tpu.dma_semaphore, #tpu.memory_space<semaphore_mem>>)
      } else {
      }
      %mul3A_213 = arith.constant 4 : i32
      %mul3A_214 = arith.muli %mul3A_213, %scan3A_96 : i32
      %add3A_215 = arith.constant 3 : i32
      %add3A_216 = arith.addi %mul3A_214, %add3A_215 : i32
      %dma_wait3A_217 = arith.constant 0 : i32
      %dma_wait3A_218 = arith.constant 0 : i32
      %dma_wait3A_219 = tpu.memref_slice %arg9[%dma_wait3A_217, %dma_wait3A_218] : memref<2x125xi32, #tpu.memory_space<vmem>> -> memref<1x125xi32, #tpu.memory_space<vmem>>
      %dma_wait3A_220 = tpu.memref_squeeze %dma_wait3A_219 : memref<1x125xi32, #tpu.memory_space<vmem>> -> memref<125xi32, #tpu.memory_space<vmem>>
      %dma_wait3A_221 = arith.constant 0 : i32
      %dma_wait3A_222 = arith.constant 0 : i32
      %dma_wait3A_223 = tpu.memref_slice %arg2[%dma_wait3A_221, %dma_wait3A_222] : memref<10000x144xf32, #tpu.memory_space<hbm>> -> memref<10000x144xf32, #tpu.memory_space<hbm>>
      tpu.wait_indirect_dma semaphore(%arg18 : memref<!tpu.dma_semaphore, #tpu.memory_space<semaphore_mem>>) src(%dma_wait3A_223 : memref<10000x144xf32, #tpu.memory_space<hbm>>) dst(%arg11 : memref<125x144xf32, #tpu.memory_space<vmem>>)
      %dma_start3A_224 = arith.constant 1 : i32
      %dma_start3A_225 = arith.constant 0 : i32
      %dma_start3A_226 = tpu.memref_slice %arg9[%dma_start3A_224, %dma_start3A_225] : memref<2x125xi32, #tpu.memory_space<vmem>> -> memref<1x125xi32, #tpu.memory_space<vmem>>
      %dma_start3A_227 = tpu.memref_squeeze %dma_start3A_226 : memref<1x125xi32, #tpu.memory_space<vmem>> -> memref<125xi32, #tpu.memory_space<vmem>>
      %dma_start3A_228 = arith.constant 0 : i32
      %dma_start3A_229 = arith.constant 0 : i32
      %dma_start3A_230 = tpu.memref_slice %arg12[%dma_start3A_228, %dma_start3A_229] : memref<10000x144xf32, #tpu.memory_space<vmem_shared>> -> memref<10000x144xf32, #tpu.memory_space<vmem_shared>>
      tpu.enqueue_indirect_dma source(%arg11 : memref<125x144xf32, #tpu.memory_space<vmem>>) target(%dma_start3A_230 : memref<10000x144xf32, #tpu.memory_space<vmem_shared>>) offsets(%dma_start3A_227 : memref<125xi32, #tpu.memory_space<vmem>>) semaphore(%arg20 : memref<!tpu.dma_semaphore, #tpu.memory_space<semaphore_mem>>) {add = true}
      %dma_wait3A_231 = arith.constant 1 : i32
      %dma_wait3A_232 = arith.constant 0 : i32
      %dma_wait3A_233 = tpu.memref_slice %arg9[%dma_wait3A_231, %dma_wait3A_232] : memref<2x125xi32, #tpu.memory_space<vmem>> -> memref<1x125xi32, #tpu.memory_space<vmem>>
      %dma_wait3A_234 = tpu.memref_squeeze %dma_wait3A_233 : memref<1x125xi32, #tpu.memory_space<vmem>> -> memref<125xi32, #tpu.memory_space<vmem>>
      %dma_wait3A_235 = arith.constant 0 : i32
      %dma_wait3A_236 = arith.constant 0 : i32
      %dma_wait3A_237 = tpu.memref_slice %arg12[%dma_wait3A_235, %dma_wait3A_236] : memref<10000x144xf32, #tpu.memory_space<vmem_shared>> -> memref<10000x144xf32, #tpu.memory_space<vmem_shared>>
      tpu.wait_indirect_dma semaphore(%arg20 : memref<!tpu.dma_semaphore, #tpu.memory_space<semaphore_mem>>) src(%arg11 : memref<125x144xf32, #tpu.memory_space<vmem>>) dst(%dma_wait3A_237 : memref<10000x144xf32, #tpu.memory_space<vmem_shared>>)
      %add3A_238 = arith.constant 2 : i32
      %add3A_239 = arith.addi %add3A_216, %add3A_238 : i32
      %lt3A_240 = arith.constant 80 : i32
      %lt3A_241 = arith.cmpi slt, %add3A_239, %lt3A_240 : i32
      %convert_element_type3A_242 = arith.extui %lt3A_241 : i1 to i32
      %cond3A_243 = arith.constant 0 : i32
      %cond3A_244 = arith.cmpi ne, %convert_element_type3A_242, %cond3A_243 : i32
      scf.if %cond3A_244 {
        %add3A_252 = arith.addi %mul3A_2, %add3A_216 : i32
        %add3A_253 = arith.constant 2 : i32
        %add3A_254 = arith.addi %add3A_252, %add3A_253 : i32
        %dma_wait3A_255 = arith.constant 0 : i32
        %dma_wait3A_256 = arith.constant 0 : i32
        %dma_wait3A_257 = tpu.memref_slice %arg3[%add3A_254, %dma_wait3A_255, %dma_wait3A_256] : memref<2560x2x125xi32, #tpu.memory_space<hbm>> -> memref<1x2x125xi32, #tpu.memory_space<hbm>>
        %dma_wait3A_258 = tpu.memref_squeeze %dma_wait3A_257 : memref<1x2x125xi32, #tpu.memory_space<hbm>> -> memref<2x125xi32, #tpu.memory_space<hbm>>
        %dma_wait3A_259 = arith.constant 0 : i32
        %dma_wait3A_260 = arith.constant 0 : i32
        %dma_wait3A_261 = tpu.memref_slice %arg3[%add3A_254, %dma_wait3A_259, %dma_wait3A_260] : memref<2560x2x125xi32, #tpu.memory_space<hbm>> -> memref<1x2x125xi32, #tpu.memory_space<hbm>>
        %dma_wait3A_262 = tpu.memref_squeeze %dma_wait3A_261 : memref<1x2x125xi32, #tpu.memory_space<hbm>> -> memref<2x125xi32, #tpu.memory_space<hbm>>
        tpu.wait_dma2 semaphore(%arg14 : memref<!tpu.dma_semaphore, #tpu.memory_space<semaphore_mem>>) src(%dma_wait3A_262 : memref<2x125xi32, #tpu.memory_space<hbm>>) dst(%arg7 : memref<2x125xi32, #tpu.memory_space<vmem>>)
        %dma_start3A_263 = arith.constant 0 : i32
        %dma_start3A_264 = arith.constant 0 : i32
        %dma_start3A_265 = tpu.memref_slice %arg7[%dma_start3A_263, %dma_start3A_264] : memref<2x125xi32, #tpu.memory_space<vmem>> -> memref<1x125xi32, #tpu.memory_space<vmem>>
        %dma_start3A_266 = tpu.memref_squeeze %dma_start3A_265 : memref<1x125xi32, #tpu.memory_space<vmem>> -> memref<125xi32, #tpu.memory_space<vmem>>
        %dma_start3A_267 = arith.constant 0 : i32
        %dma_start3A_268 = arith.constant 0 : i32
        %dma_start3A_269 = tpu.memref_slice %arg2[%dma_start3A_267, %dma_start3A_268] : memref<10000x144xf32, #tpu.memory_space<hbm>> -> memref<10000x144xf32, #tpu.memory_space<hbm>>
        tpu.enqueue_indirect_dma source(%dma_start3A_269 : memref<10000x144xf32, #tpu.memory_space<hbm>>) target(%arg11 : memref<125x144xf32, #tpu.memory_space<vmem>>) offsets(%dma_start3A_266 : memref<125xi32, #tpu.memory_space<vmem>>) semaphore(%arg18 : memref<!tpu.dma_semaphore, #tpu.memory_space<semaphore_mem>>)
      } else {
      }
      %add3A_245 = arith.constant 4 : i32
      %add3A_246 = arith.addi %add3A_216, %add3A_245 : i32
      %lt3A_247 = arith.constant 80 : i32
      %lt3A_248 = arith.cmpi slt, %add3A_246, %lt3A_247 : i32
      %convert_element_type3A_249 = arith.extui %lt3A_248 : i1 to i32
      %cond3A_250 = arith.constant 0 : i32
      %cond3A_251 = arith.cmpi ne, %convert_element_type3A_249, %cond3A_250 : i32
      scf.if %cond3A_251 {
        %add3A_252 = arith.addi %mul3A_2, %add3A_216 : i32
        %add3A_253 = arith.constant 4 : i32
        %add3A_254 = arith.addi %add3A_252, %add3A_253 : i32
        %dma_start3A_255 = arith.constant 0 : i32
        %dma_start3A_256 = arith.constant 0 : i32
        %dma_start3A_257 = tpu.memref_slice %arg3[%add3A_254, %dma_start3A_255, %dma_start3A_256] : memref<2560x2x125xi32, #tpu.memory_space<hbm>> -> memref<1x2x125xi32, #tpu.memory_space<hbm>>
        %dma_start3A_258 = tpu.memref_squeeze %dma_start3A_257 : memref<1x2x125xi32, #tpu.memory_space<hbm>> -> memref<2x125xi32, #tpu.memory_space<hbm>>
        %dma_start3A_259 = arith.constant 0 : i32
        %dma_start3A_260 = arith.constant 0 : i32
        %dma_start3A_261 = tpu.memref_slice %arg3[%add3A_254, %dma_start3A_259, %dma_start3A_260] : memref<2560x2x125xi32, #tpu.memory_space<hbm>> -> memref<1x2x125xi32, #tpu.memory_space<hbm>>
        %dma_start3A_262 = tpu.memref_squeeze %dma_start3A_261 : memref<1x2x125xi32, #tpu.memory_space<hbm>> -> memref<2x125xi32, #tpu.memory_space<hbm>>
        tpu.enqueue_dma source(%dma_start3A_262 : memref<2x125xi32, #tpu.memory_space<hbm>>) target(%arg9 : memref<2x125xi32, #tpu.memory_space<vmem>>) target_semaphore(%arg16 : memref<!tpu.dma_semaphore, #tpu.memory_space<semaphore_mem>>)
      } else {
      }
    }
    %scan3A_85 = arith.constant 20 : i32
    %barrier3A_86 = arith.constant 0 : index
    tpu.barrier barrier_id(%barrier3A_86)
    %mul3A_87 = arith.constant 624 : i32
    %mul3A_88 = arith.muli %arg1, %mul3A_87 : i32
    %mul3A_89 = arith.constant 624 : i32
    %mul3A_90 = arith.muli %arg1, %mul3A_89 : i32
    "tpu.region"() ({
      %run_scoped3A = tpu.sem_alloc : memref<!tpu.dma_semaphore, #tpu.memory_space<semaphore_mem>>
      %dma_start3A_96 = arith.constant 0 : i32
      %dma_start3A_97 = arith.constant 0 : i32
      %dma_start3A_98 = tpu.memref_slice %arg5[%arg0, %dma_start3A_96, %dma_start3A_97] : memref<2x10000x144xf32, #tpu.memory_space<hbm>> -> memref<1x10000x144xf32, #tpu.memory_space<hbm>>
      %dma_start3A_99 = tpu.memref_squeeze %dma_start3A_98 : memref<1x10000x144xf32, #tpu.memory_space<hbm>> -> memref<10000x144xf32, #tpu.memory_space<hbm>>
      %dma_start3A_100 = arith.constant 0 : i32
      %dma_start3A_101 = tpu.memref_slice %dma_start3A_99[%mul3A_90, %dma_start3A_100] : memref<10000x144xf32, #tpu.memory_space<hbm>> -> memref<624x144xf32, #tpu.memory_space<hbm>>
      %dma_start3A_102 = arith.constant 0 : i32
      %dma_start3A_103 = tpu.memref_slice %arg12[%mul3A_88, %dma_start3A_102] : memref<10000x144xf32, #tpu.memory_space<vmem_shared>> -> memref<624x144xf32, #tpu.memory_space<vmem_shared>>
      tpu.enqueue_dma source(%dma_start3A_103 : memref<624x144xf32, #tpu.memory_space<vmem_shared>>) target(%dma_start3A_101 : memref<624x144xf32, #tpu.memory_space<hbm>>) target_semaphore(%run_scoped3A : memref<!tpu.dma_semaphore, #tpu.memory_space<semaphore_mem>>)
      %dma_wait3A_104 = arith.constant 0 : i32
      %dma_wait3A_105 = arith.constant 0 : i32
      %dma_wait3A_106 = tpu.memref_slice %arg5[%arg0, %dma_wait3A_104, %dma_wait3A_105] : memref<2x10000x144xf32, #tpu.memory_space<hbm>> -> memref<1x10000x144xf32, #tpu.memory_space<hbm>>
      %dma_wait3A_107 = tpu.memref_squeeze %dma_wait3A_106 : memref<1x10000x144xf32, #tpu.memory_space<hbm>> -> memref<10000x144xf32, #tpu.memory_space<hbm>>
      %dma_wait3A_108 = arith.constant 0 : i32
      %dma_wait3A_109 = tpu.memref_slice %dma_wait3A_107[%mul3A_90, %dma_wait3A_108] : memref<10000x144xf32, #tpu.memory_space<hbm>> -> memref<624x144xf32, #tpu.memory_space<hbm>>
      %dma_wait3A_110 = arith.constant 0 : i32
      %dma_wait3A_111 = tpu.memref_slice %arg12[%mul3A_88, %dma_wait3A_110] : memref<10000x144xf32, #tpu.memory_space<vmem_shared>> -> memref<624x144xf32, #tpu.memory_space<vmem_shared>>
      tpu.wait_dma2 semaphore(%run_scoped3A : memref<!tpu.dma_semaphore, #tpu.memory_space<semaphore_mem>>) src(%dma_wait3A_111 : memref<624x144xf32, #tpu.memory_space<vmem_shared>>) dst(%dma_wait3A_109 : memref<624x144xf32, #tpu.memory_space<hbm>>)
      tpu.yield
    }) : () -> ()
    %eq3A_91 = arith.constant 0 : i32
    %eq3A_92 = arith.cmpi eq, %arg1, %eq3A_91 : i32
    %convert_element_type3A_93 = arith.extui %eq3A_92 : i1 to i32
    %cond3A_94 = arith.constant 0 : i32
    %cond3A_95 = arith.cmpi ne, %convert_element_type3A_93, %cond3A_94 : i32
    scf.if %cond3A_95 {
      "tpu.region"() ({
        %run_scoped3A = tpu.sem_alloc : memref<!tpu.dma_semaphore, #tpu.memory_space<semaphore_mem>>
        %dma_start3A_96 = arith.constant 0 : i32
        %dma_start3A_97 = arith.constant 0 : i32
        %dma_start3A_98 = tpu.memref_slice %arg5[%arg0, %dma_start3A_96, %dma_start3A_97] : memref<2x10000x144xf32, #tpu.memory_space<hbm>> -> memref<1x10000x144xf32, #tpu.memory_space<hbm>>
        %dma_start3A_99 = tpu.memref_squeeze %dma_start3A_98 : memref<1x10000x144xf32, #tpu.memory_space<hbm>> -> memref<10000x144xf32, #tpu.memory_space<hbm>>
        %dma_start3A_100 = arith.constant 9984 : i32
        %dma_start3A_101 = arith.constant 0 : i32
        %dma_start3A_102 = tpu.memref_slice %dma_start3A_99[%dma_start3A_100, %dma_start3A_101] : memref<10000x144xf32, #tpu.memory_space<hbm>> -> memref<16x144xf32, #tpu.memory_space<hbm>>
        %dma_start3A_103 = arith.constant 9984 : i32
        %dma_start3A_104 = arith.constant 0 : i32
        %dma_start3A_105 = tpu.memref_slice %arg12[%dma_start3A_103, %dma_start3A_104] : memref<10000x144xf32, #tpu.memory_space<vmem_shared>> -> memref<16x144xf32, #tpu.memory_space<vmem_shared>>
        tpu.enqueue_dma source(%dma_start3A_105 : memref<16x144xf32, #tpu.memory_space<vmem_shared>>) target(%dma_start3A_102 : memref<16x144xf32, #tpu.memory_space<hbm>>) target_semaphore(%run_scoped3A : memref<!tpu.dma_semaphore, #tpu.memory_space<semaphore_mem>>)
        %dma_wait3A_106 = arith.constant 0 : i32
        %dma_wait3A_107 = arith.constant 0 : i32
        %dma_wait3A_108 = tpu.memref_slice %arg5[%arg0, %dma_wait3A_106, %dma_wait3A_107] : memref<2x10000x144xf32, #tpu.memory_space<hbm>> -> memref<1x10000x144xf32, #tpu.memory_space<hbm>>
        %dma_wait3A_109 = tpu.memref_squeeze %dma_wait3A_108 : memref<1x10000x144xf32, #tpu.memory_space<hbm>> -> memref<10000x144xf32, #tpu.memory_space<hbm>>
        %dma_wait3A_110 = arith.constant 9984 : i32
        %dma_wait3A_111 = arith.constant 0 : i32
        %dma_wait3A_112 = tpu.memref_slice %dma_wait3A_109[%dma_wait3A_110, %dma_wait3A_111] : memref<10000x144xf32, #tpu.memory_space<hbm>> -> memref<16x144xf32, #tpu.memory_space<hbm>>
        %dma_wait3A_113 = arith.constant 9984 : i32
        %dma_wait3A_114 = arith.constant 0 : i32
        %dma_wait3A_115 = tpu.memref_slice %arg12[%dma_wait3A_113, %dma_wait3A_114] : memref<10000x144xf32, #tpu.memory_space<vmem_shared>> -> memref<16x144xf32, #tpu.memory_space<vmem_shared>>
        tpu.wait_dma2 semaphore(%run_scoped3A : memref<!tpu.dma_semaphore, #tpu.memory_space<semaphore_mem>>) src(%dma_wait3A_115 : memref<16x144xf32, #tpu.memory_space<vmem_shared>>) dst(%dma_wait3A_112 : memref<16x144xf32, #tpu.memory_space<hbm>>)
        tpu.yield
      }) : () -> ()
    } else {
    }
    return
  }
}

module attributes {stable_mosaic.version = 14 : i64} {
  func.func @_prologue_body(%arg0: memref<10000x128xf32, #tpu.memory_space<vmem>>, %arg1: memref<128x64xf32, #tpu.memory_space<vmem>>, %arg2: memref<1x64xf32, #tpu.memory_space<vmem>>, %arg3: memref<64x1xf32, #tpu.memory_space<vmem>>, %arg4: memref<1x1xf32, #tpu.memory_space<vmem>>, %arg5: memref<128x128xf32, #tpu.memory_space<vmem>>, %arg6: memref<1x128xf32, #tpu.memory_space<vmem>>, %arg7: memref<10000x144xf32, #tpu.memory_space<vmem>>) attributes {dimension_semantics = [], scalar_prefetch = 0 : i64, scratch_operands = 0 : i64, tpu.core_type = #tpu.core_type<tc>} {
    %get3A = arith.constant 0 : index
    %get3A_0 = arith.constant 0 : index
    %get3A_1 = vector.load %arg0[%get3A, %get3A_0] : memref<10000x128xf32, #tpu.memory_space<vmem>>, vector<10000x128xf32>
    %get3A_2 = arith.constant 0 : index
    %get3A_3 = arith.constant 0 : index
    %get3A_4 = vector.load %arg1[%get3A_2, %get3A_3] : memref<128x64xf32, #tpu.memory_space<vmem>>, vector<128x64xf32>
    %dot_general3A = arith.constant dense<0.000000e+00> : vector<10000x64xf32>
    %dot_general3A_5 = tpu.matmul %get3A_1, %get3A_4, %dot_general3A {dimension_numbers = #tpu.dot_dimension_numbers<[1], [0], [0], [1], [0, 0, 1, 1], [], []>, transpose_lhs_hint = false} : vector<10000x128xf32>, vector<128x64xf32>, vector<10000x64xf32> -> vector<10000x64xf32>
    %get3A_6 = arith.constant 0 : index
    %get3A_7 = arith.constant 0 : index
    %get3A_8 = vector.load %arg2[%get3A_6, %get3A_7] : memref<1x64xf32, #tpu.memory_space<vmem>>, vector<1x64xf32>
    %add3A = vector.broadcast %get3A_8 : vector<1x64xf32> to vector<10000x64xf32>
    %add3A_9 = arith.addf %dot_general3A_5, %add3A : vector<10000x64xf32>
    %max3A = arith.constant 0.000000e+00 : f32
    %max3A_10 = vector.broadcast %max3A : f32 to vector<10000x64xf32>
    %max3A_11 = arith.maximumf %add3A_9, %max3A_10 : vector<10000x64xf32>
    %get3A_12 = arith.constant 0 : index
    %get3A_13 = arith.constant 0 : index
    %get3A_14 = vector.load %arg3[%get3A_12, %get3A_13] : memref<64x1xf32, #tpu.memory_space<vmem>>, vector<64x1xf32>
    %dot_general3A_15 = arith.constant dense<0.000000e+00> : vector<10000x1xf32>
    %dot_general3A_16 = tpu.matmul %max3A_11, %get3A_14, %dot_general3A_15 {dimension_numbers = #tpu.dot_dimension_numbers<[1], [0], [0], [1], [0, 0, 1, 1], [], []>, transpose_lhs_hint = false} : vector<10000x64xf32>, vector<64x1xf32>, vector<10000x1xf32> -> vector<10000x1xf32>
    %get3A_17 = arith.constant 0 : index
    %get3A_18 = arith.constant 0 : index
    %get3A_19 = vector.load %arg4[%get3A_17, %get3A_18] : memref<1x1xf32, #tpu.memory_space<vmem>>, vector<1x1xf32>
    %add3A_20 = vector.broadcast %get3A_19 : vector<1x1xf32> to vector<10000x1xf32>
    %add3A_21 = arith.addf %dot_general3A_16, %add3A_20 : vector<10000x1xf32>
    %reduce_max3A = vector.shape_cast %add3A_21 : vector<10000x1xf32> to vector<1x10000x1xf32>
    %reduce_max3A_22 = arith.constant dense<0xFF800000> : vector<1xf32>
    %reduce_max3A_23 = vector.multi_reduction <maximumf>, %reduce_max3A, %reduce_max3A_22 [1, 2] : vector<1x10000x1xf32> to vector<1xf32>
    %reduce_max3A_24 = vector.shape_cast %reduce_max3A_23 : vector<1xf32> to vector<1x1x1xf32>
    %reduce_max3A_25 = vector.extract %reduce_max3A_24[0, 0, 0] : f32 from vector<1x1x1xf32>
    %sub3A = vector.broadcast %reduce_max3A_25 : f32 to vector<10000x1xf32>
    %sub3A_26 = arith.subf %add3A_21, %sub3A : vector<10000x1xf32>
    %exp3A = math.exp %sub3A_26 : vector<10000x1xf32>
    %get3A_27 = arith.constant 0 : index
    %get3A_28 = arith.constant 0 : index
    %get3A_29 = vector.load %arg5[%get3A_27, %get3A_28] : memref<128x128xf32, #tpu.memory_space<vmem>>, vector<128x128xf32>
    %dot_general3A_30 = arith.constant dense<0.000000e+00> : vector<10000x128xf32>
    %dot_general3A_31 = tpu.matmul %get3A_1, %get3A_29, %dot_general3A_30 {dimension_numbers = #tpu.dot_dimension_numbers<[1], [0], [0], [1], [0, 0, 1, 1], [], []>, transpose_lhs_hint = false} : vector<10000x128xf32>, vector<128x128xf32>, vector<10000x128xf32> -> vector<10000x128xf32>
    %get3A_32 = arith.constant 0 : index
    %get3A_33 = arith.constant 0 : index
    %get3A_34 = vector.load %arg6[%get3A_32, %get3A_33] : memref<1x128xf32, #tpu.memory_space<vmem>>, vector<1x128xf32>
    %add3A_35 = vector.broadcast %get3A_34 : vector<1x128xf32> to vector<10000x128xf32>
    %add3A_36 = arith.addf %dot_general3A_31, %add3A_35 : vector<10000x128xf32>
    %max3A_37 = arith.constant 0.000000e+00 : f32
    %max3A_38 = vector.broadcast %max3A_37 : f32 to vector<10000x128xf32>
    %max3A_39 = arith.maximumf %add3A_36, %max3A_38 : vector<10000x128xf32>
    %mul3A = vector.broadcast %exp3A : vector<10000x1xf32> to vector<10000x128xf32>
    %mul3A_40 = arith.mulf %mul3A, %max3A_39 : vector<10000x128xf32>
    %swap3A = arith.constant 0 : index
    %swap3A_41 = arith.constant 0 : index
    %swap3A_42 = vector.load %arg7[%swap3A, %swap3A_41] : memref<10000x144xf32, #tpu.memory_space<vmem>>, vector<10000x128xf32>
    tpu.vector_store %arg7[%swap3A, %swap3A_41], %mul3A_40 {strides = array<i32>} : memref<10000x144xf32, #tpu.memory_space<vmem>>, vector<10000x128xf32>,
    %swap3A_43 = arith.constant 0 : index
    %swap3A_44 = arith.constant 128 : index
    %swap3A_45 = vector.load %arg7[%swap3A_43, %swap3A_44] : memref<10000x144xf32, #tpu.memory_space<vmem>>, vector<10000x1xf32>
    tpu.vector_store %arg7[%swap3A_43, %swap3A_44], %exp3A {strides = array<i32>} : memref<10000x144xf32, #tpu.memory_space<vmem>>, vector<10000x1xf32>,
    %broadcast_in_dim3A = arith.constant 0.000000e+00 : f32
    %broadcast_in_dim3A_46 = vector.broadcast %broadcast_in_dim3A : f32 to vector<10000x15xf32>
    %swap3A_47 = arith.constant 0 : index
    %swap3A_48 = arith.constant 129 : index
    %swap3A_49 = vector.load %arg7[%swap3A_47, %swap3A_48] : memref<10000x144xf32, #tpu.memory_space<vmem>>, vector<10000x15xf32>
    tpu.vector_store %arg7[%swap3A_47, %swap3A_48], %broadcast_in_dim3A_46 {strides = array<i32>} : memref<10000x144xf32, #tpu.memory_space<vmem>>, vector<10000x15xf32>,
    return
  }
}

module attributes {stable_mosaic.version = 14 : i64} {
  func.func @_epilogue_body(%arg0: memref<2x10000x144xf32, #tpu.memory_space<vmem>>, %arg1: memref<10000x128xf32, #tpu.memory_space<vmem>>) attributes {dimension_semantics = [], scalar_prefetch = 0 : i64, scratch_operands = 0 : i64, tpu.core_type = #tpu.core_type<tc>} {
    %get3A = arith.constant 0 : index
    %get3A_0 = arith.constant 0 : index
    %get3A_1 = arith.constant 0 : index
    %get3A_2 = vector.load %arg0[%get3A, %get3A_0, %get3A_1] : memref<2x10000x144xf32, #tpu.memory_space<vmem>>, vector<1x10000x144xf32>
    %get3A_3 = vector.shape_cast %get3A_2 : vector<1x10000x144xf32> to vector<10000x144xf32>
    %get3A_4 = arith.constant 1 : index
    %get3A_5 = arith.constant 0 : index
    %get3A_6 = arith.constant 0 : index
    %get3A_7 = vector.load %arg0[%get3A_4, %get3A_5, %get3A_6] : memref<2x10000x144xf32, #tpu.memory_space<vmem>>, vector<1x10000x144xf32>
    %get3A_8 = vector.shape_cast %get3A_7 : vector<1x10000x144xf32> to vector<10000x144xf32>
    %add3A = arith.addf %get3A_3, %get3A_8 : vector<10000x144xf32>
    %slice3A = vector.extract_strided_slice %add3A {offsets = [0, 0], sizes = [10000, 128], strides = [1, 1]} : vector<10000x144xf32> to vector<10000x128xf32>
    %slice3A_9 = vector.extract_strided_slice %add3A {offsets = [0, 128], sizes = [10000, 1], strides = [1, 1]} : vector<10000x144xf32> to vector<10000x1xf32>
    %add3A_10 = arith.constant 1.000000e-16 : f32
    %add3A_11 = vector.broadcast %add3A_10 : f32 to vector<10000x1xf32>
    %add3A_12 = arith.addf %slice3A_9, %add3A_11 : vector<10000x1xf32>
    %div3A = vector.broadcast %add3A_12 : vector<10000x1xf32> to vector<10000x128xf32>
    %div3A_13 = arith.divf %slice3A, %div3A : vector<10000x128xf32>
    %swap3A = arith.constant 0 : index
    %swap3A_14 = arith.constant 0 : index
    %swap3A_15 = vector.load %arg1[%swap3A, %swap3A_14] : memref<10000x128xf32, #tpu.memory_space<vmem>>, vector<10000x128xf32>
    tpu.vector_store %arg1[%swap3A, %swap3A_14], %div3A_13 {strides = array<i32>} : memref<10000x128xf32, #tpu.memory_space<vmem>>, vector<10000x128xf32>,
    return
  }
}

</mosaic_0001>

<sc_bundles>
// kernel: kernel.5.cloned.1.call-start
scs
__scs_entry_jumppad:
0x0: {  	(pc) =	sbr.rel $0x88, $3  }
0x1: {  	(tag) =	ssettag $0x0;
	lr =	simm.s32 $0x1  }
0x2: {  	[smem:$0x3F99] =	sst lr;
	_ =	strace $0xD0000000  }
0x3: {  	_ = 	snop  }
0x4: {  	_ = 	snop  }
0x5: {  	_ = 	snop  }
0x6: {  	_ = 	snop  }
0x7: {  	_ = 	snop  }
__scs_overlays_trampoline_lowered:
0x8: {  	[smem:$0x3FA8] =	sst s0  }
0x9: {  	[smem:$0x3FA9] =	sst s1  }
0xa: {  	[smem:$0x3FAA] =	sst s2  }
0xb: {  	[smem:$0x3FAB] =	sst s3  }
0xc: {  	[smem:$0x3FAC] =	sst s4  }
0xd: {  	[smem:$0x3FAD] =	sst s5  }
0xe: {  	[smem:$0x3FAE] =	sst s6  }
0xf: {  	[smem:$0x3FAF] =	sst s7  }
0x10: {  	[smem:$0x3FB0] =	sst s8  }
0x11: {  	[smem:$0x3FB1] =	sst s9;
	s0 =	simm.s32 @!p0 $0x0  }
0x12: {  	s1 =	sld [smem:$0x3F97];
	s0 =	simm.s32 @p0 $0x1  }
0x13: {  	[smem:$0x3FB2] =	sst s0;
	s0 =	simm.s32 @!p1 $0x0  }
0x14: {  	s2 =	sld [smem:$0x3F96];
	s0 =	simm.s32 @p1 $0x1  }
0x15: {  	[smem:$0x3FB3] =	sst s0;
	s0 =	simm.s32 @!p2 $0x0  }
0x16: {  	s3 =	sld [smem:$0x3FDB];
	s0 =	simm.s32 @p2 $0x1  }
0x17: {  	s4 =	simm.s32 $0x1BF5;
	[smem:$0x3FB5] =	sst s0  }
0x18: {  	s0 =	sld [smem:$0x3F98];
	_ =	swait.ge [sflag:s4], $0x0  }
0x19: {  	s7 =	sld [smem:$0x3F99]  }
0x1a: {  	s8 =	sadd.s32 $0xFFFFE003, lr  }
0x1b: {  	s9 =	sadd.s32 $0xFFFFFEF7, lr;
	s5 =	simm.s32 $0xFFFFFFFF;
	p2 =	slt.u32 s8, $0xFFFFF086  }
0x1c: {  	p1 =	slt.u32 s9, $0xF7A;
	s5 =	simm.s32 @!p2 $0x0  }
0x1d: {  	s5 =	simm.s32 @p1 $0x1;
	p0 =	seq.s32 s7, s2  }
0x1e: {  	s7 =	smul.u32 @!p0 $0xF7A, s2;
	p2 =	seq.s32 @!p0 s5, $0x0  }
0x1f: {  	s9 =	smul.u32 $0xF7A, s1;
	s8 =	simm.s32 @!p0 $0x1BF5;
	p2 =	por !p2, p0  }
0x20: {  	[sflag:s8] =	ssyncset.s32 @!p0 $0xFFFFF086;
	s6 =	sadd.s32 @!p0 s3, s7;
	s7 =	simm.s32 @!p0 $0x108  }
0x21: {  	s3 =	sadd.s32 s3, s9;
	s6 =	sadd.s32 @!p0 $0x88, s6;
	s7 =	simm.s32 @p2 $0x1082  }
0x22: {  	[simem:s7], [sflag:s8] =	dma.local @!p0 [hbm:s6], $0xF7A  }
0x23: {  	s9 =	sor.u32 $0xD0000000, s2;
	s6 =	simm.s32 $0x108;
	_ =	swait.ge @!p0 [sflag:s8], $0x0  }
0x24: {  	s3 =	sadd.s32 $0x88, s3;
	s6 =	simm.s32 @!p1 $0x1082;
	[sflag:s4] =	ssyncset.s32 $0xFFFFF086  }
0x25: {  	[simem:s6], [sflag:s4] =	dma.local [hbm:s3], $0xF7A  }
0x26: {  	[smem:$0x3F99] =	sst s1;
	(tag) =	ssettag s2;
	_ =	strace s9  }
0x27: {  	s1 =	sld [smem:$0x3FA9]  }
0x28: {  	s2 =	sld [smem:$0x3FAA]  }
0x29: {  	s4 =	sld [smem:$0x3FAC]  }
0x2a: {  	p0 =	seq.s32 s5, $0x0;
	s5 =	sld [smem:$0x3FAD]  }
0x2b: {  	s6 =	sld [smem:$0x3FAE]  }
0x2c: {  	s7 =	sld [smem:$0x3FAF]  }
0x2d: {  	s3 =	simm.s32 $0x108;
	s8 =	sld [smem:$0x3FB0]  }
0x2e: {  	s3 =	simm.s32 @!p0 $0x1082;
	s9 =	sld [smem:$0x3FB1]  }
0x2f: {  	lr =	sadd.s32 s0, s3;
	s0 =	sld [smem:$0x3FA8]  }
0x30: {  	s3 =	sld [smem:$0x3FAB]  }
0x31: {  	[smem:$0x3FB4] =	sst s10  }
0x32: {  	s10 =	sld [smem:$0x3FB2];
	_ =	sdelay $0x3  }
0x33: {  	p0 =	seq.s32 s10, $0x1;
	s10 =	sld [smem:$0x3FB4];
	_ =	sdelay $0x3  }
0x34: {  	[smem:$0x3FB4] =	sst s10  }
0x35: {  	s10 =	sld [smem:$0x3FB3];
	_ =	sdelay $0x3  }
0x36: {  	p1 =	seq.s32 s10, $0x1;
	s10 =	sld [smem:$0x3FB4];
	_ =	sdelay $0x3  }
0x37: {  	[smem:$0x3FB4] =	sst s10  }
0x38: {  	s10 =	sld [smem:$0x3FB5]  }
0x39: {  	_ = 	snop;
	(pc) =	sbr.ind lr, $3  }
0x3a: {  	_ = 	snop  }
0x3b: {  	_ = 	snop  }
0x3c: {  	p2 =	seq.s32 s10, $0x1;
	s10 =	sld [smem:$0x3FB4]  }
0x3d: {  	_ =	shalt  }
0x3e: {  	_ =	shalt  }
0x3f: {  	_ =	shalt  }
0x40: {  	_ =	shalt  }
0x41: {  	_ =	shalt  }
0x42: {  	_ =	shalt  }
0x43: {  	_ =	shalt  }
0x44: {  	_ =	shalt  }
0x45: {  	_ =	shalt  }
0x46: {  	_ =	shalt  }
0x47: {  	_ =	shalt  }
0x48: {  	_ =	shalt  }
0x49: {  	_ =	shalt  }
0x4a: {  	_ =	shalt  }
0x4b: {  	_ =	shalt  }
0x4c: {  	_ =	shalt  }
0x4d: {  	_ =	shalt  }
0x4e: {  	_ =	shalt  }
0x4f: {  	_ =	shalt  }
0x50: {  	_ =	shalt  }
0x51: {  	_ =	shalt  }
0x52: {  	_ =	shalt  }
0x53: {  	_ =	shalt  }
0x54: {  	_ =	shalt  }
0x55: {  	_ =	shalt  }
0x56: {  	_ =	shalt  }
0x57: {  	_ =	shalt  }
0x58: {  	_ =	shalt  }
0x59: {  	_ =	shalt  }
0x5a: {  	_ =	shalt  }
0x5b: {  	_ =	shalt  }
0x5c: {  	_ =	shalt  }
0x5d: {  	_ =	shalt  }
0x5e: {  	_ =	shalt  }
0x5f: {  	_ =	shalt  }
0x60: {  	_ =	shalt  }
0x61: {  	_ =	shalt  }
0x62: {  	_ =	shalt  }
0x63: {  	_ =	shalt  }
0x64: {  	_ =	shalt  }
0x65: {  	_ =	shalt  }
0x66: {  	_ =	shalt  }
0x67: {  	_ =	shalt  }
0x68: {  	_ =	shalt  }
0x69: {  	_ =	shalt  }
0x6a: {  	_ =	shalt  }
0x6b: {  	_ =	shalt  }
0x6c: {  	_ =	shalt  }
0x6d: {  	_ =	shalt  }
0x6e: {  	_ =	shalt  }
0x6f: {  	_ =	shalt  }
0x70: {  	_ =	shalt  }
0x71: {  	_ =	shalt  }
0x72: {  	_ =	shalt  }
0x73: {  	_ =	shalt  }
0x74: {  	_ =	shalt  }
0x75: {  	_ =	shalt  }
0x76: {  	_ =	shalt  }
0x77: {  	_ =	shalt  }
0x78: {  	_ =	shalt  }
0x79: {  	_ =	shalt  }
0x7a: {  	_ =	shalt  }
0x7b: {  	_ =	shalt  }
0x7c: {  	_ =	shalt  }
0x7d: {  	_ =	shalt  }
0x7e: {  	_ =	shalt  }
0x7f: {  	_ =	shalt  }
0x80: {  	_ =	shalt  }
0x81: {  	_ =	shalt  }
0x82: {  	_ =	shalt  }
0x83: {  	_ =	shalt  }
0x84: {  	_ =	shalt  }
0x85: {  	_ =	shalt  }
0x86: {  	_ =	shalt  }
0x87: {  	_ =	shalt  }
.Lfunc_end0:
.L_simem_size_0:
called_computation_lowered:
.L_overlay_start_0:
0x88: {  	s2 =	sld [smem:$0x3FD9]  }
0x89: {  	s3 =	sld [smem:$0x3FFE];
	_ =	sdelay $0x1  }
0x8a: {  	s1 =	srdreg.scid  }
0x8b: {  	s0 =	sand.u32 $0x1, s1  }
0x8c: {  	s17 =	sshll.u32 s0, $0xA;
	s2 =	sadd.s32 s3, s2  }
0x8d: {  	s2 =	sadd.s32 s2, s17  }
0x8e: {  	[smem:$0x3FC0] =	sst s2  }
0x8f: {  	_ = 	snop  }
0x90: {  	s2 =	sld [smem:$0x3FD0];
	(tm) =	ssettm $0x1  }
0x91: {  	s18 =	sld [smem:$0x3FFB];
	_ =	sdelay $0x3  }
0x92: {  	_ =	strace s18  }
0x93: {  	s3 =	sld [smem:$0x3FFC];
	_ =	sdelay $0x3  }
0x94: {  	_ =	strace s3  }
0x95: {  	s3 =	sld [smem:$0x3FFD];
	_ =	sdelay $0x3  }
0x96: {  	_ =	strace s3  }
0x97: {  	_ =	strace $0x8FFFFFFF  }
0x98: {  	s19 =	sld [smem:$0x3FDB];
	_ =	sdelay $0x1  }
0x99: {  	s4 =	simm.s32 $_scs_section_size  }
0x9a: {  	s5 =	simm.s32 $_size__tile_overlayer_lowered;
	s6 =	simm.s32 $_tile_overlayer_lowered  }
0x9b: {  	s22 =	simm.s32 $0x1BFF;
	s21 =	sshll.u32 s6, $0x1;
	s3 =	sadd.s32 s4, s19  }
0x9c: {  	s7 =	simm.s32 $0x0;
	s20 =	sshll.u32 s5, $0x1;
	s5 =	sadd.s32 s21, s3  }
0x9d: {  	[timem:s7], [sflag:s22] =	dma.local [hbm:s5], s20  }
0x9e: {  	_ =	swait.ge [sflag:s22], s20  }
0x9f: {  	s4 =	ssub.s32 $0x0, s20;
	[sflag:s22] =	ssyncset.done $0x0  }
0xa0: {  	[sflag:s22] =	ssyncadd.s32 s4;
	_ =	sdelay $0x1  }
0xa1: {  	s23 =	simm.s32 $0x1B8B  }
0xa2: {  	_ =	swait.ge [sflag:s23], $0x1  }
0xa3: {  	[sflag:s23] =	ssyncset.done $0x0  }
0xa4: {  	s25 =	simm.s32 $0x1B8E;
	s24 =	sld [smem:$0x3FFE];
	[sflag:s23] =	ssyncadd.s32 $0xFFFFFFFF  }
0xa5: {  	s26 =	simm.s32 $execute0_lowered;
	[smem:$0x3FD2] =	sst s25  }
0xa6: {  	s5 =	sshll.u32 s26, $0x1;
	_ =	strace $0x80000046;
	[dreg:$0x1] =	wrdreg $0xFFFFFFFF  }
0xa7: {  	s28 =	simm.s32 $_size_execute0_lowered;
	s3 =	sadd.s32 s3, s5;
	[dreg:$0x0] =	wrdreg $0x0  }
0xa8: {  	s5 =	sshll.u32 s28, $0x1;
	[dreg:$0x2] =	wrdreg s3  }
0xa9: {  	[dreg:$0x3] =	wrdreg s5  }
0xaa: {  	[dreg:$0x4] =	wrdreg $0xC0  }
0xab: {  	_ =	task [dreg:s7], $0x5FFFF  }
0xac: {  	[dreg:$0x1] =	wrdreg $0xFFFFFFFF  }
0xad: {  	[dreg:$0x0] =	wrdreg $0x60  }
0xae: {  	[dreg:$0x2] =	wrdreg s24  }
0xaf: {  	[dreg:$0x3] =	wrdreg s2  }
0xb0: {  	[dreg:$0x4] =	wrdreg $0x90A00  }
0xb1: {  	[dreg:$0x5] =	wrdreg $0x9  }
0xb2: {  	_ =	task.clear_ibuf [dreg:s7], $0x6FFFF;
	_ =	strace $0x90000046  }
0xb3: {  	s29 =	simm.s32 $0x9;
	_ =	strace $0x80000048  }
0xb4: {  	_ =	swait.ge [sflag:s29], $0x1  }
0xb5: {  	[sflag:s29] =	ssyncadd.s32 $0xFFFFFFFF  }
0xb6: {  	_ =	strace $0x90000048  }
0xb7: {  	_ =	sfence  }
0xb8: {  	s30 =	sld [smem:$0x0];
	_ =	sdelay $0x2  }
0xb9: {  	s31 =	sshll.u32 s1, $0xD;
	s1 =	sshrl.u32 s1, $0x2  }
0xba: {  	s3 =	sand.u32 $0x4000, s31;
	s1 =	sadd.s32 s1, s30  }
0xbb: {  	s0 =	sor.u32 s3, s0;
	s1 =	sshll.u32 s1, $0x11  }
0xbc: {  	s0 =	sor.u32 s1, s0  }
0xbd: {  	s0 =	sadd.s32 $0x8F2B, s0  }
0xbe: {  	[sflag:s0] =	ssyncadd.remote.s32 $0x1  }
0xbf: {  	_ =	sfence.sel $0xFFFF  }
0xc0: {  	[dreg:$0x0] =	wrdreg $0xFFFFFFFF;
	(pc) =	sbr.abs _section_cstart, $3  }
0xc1: {  	[dreg:$0x1] =	wrdreg $0xFFFFFFFF  }
0xc2: {  	_ =	task.clear_ibuf [dreg:s7], $0x2FFFF;
	_ =	strace $0x9FFFFFFF  }
0xc3: {  	(tm) =	ssettm $0x7FFFFFFF  }
tec
execute0_lowered:
.L_overlay_start_1:
0x0: {  	(tag) =	ssettag $0x1  }
0x1: {  	s0 =	rddreg [dreg:$0x0]  }
0x2: {  	s4 =	rddreg [dreg:$0x1]  }
0x3: {  	s1 =	rddreg [dreg:$0x2];
	s2 =	simm.s32 $0x0;
	s5 =	stileid.u32  }
0x4: {  	s7 =	srdreg.scid;
	s16 =	simm.s32 $0x9;
	s18 =	simm.s32 $0x100  }
0x5: {  	s28 =	simm.s32 $0x80;
	s29 =	simm.s32 $0x7;
	s30 =	simm.s32 $0x3  }
0x6: {  	s31 =	simm.s32 $0x6;
	[smem:$0x7FF] =	sst s2;
	s6 =	smul.u32 $0x15F00, s5  }
0x7: {  	s3 =	sadd.s32 $0xA00, s0;
	s7 =	sand.u32 $0x1, s7;
	s20 =	sshll.u32 s5, $0x6  }
0x8: {  	s24 =	smul.u32 $0xA00, s5;
	p0 =	sne.s32 s5, $0x0;
	_ =	strace $0x80000047  }
0x9: {  	s8 =	smul.u32 $0x2BF20, s7;
	s9 =	ssub.s32 $0x2, s7;
	s12 =	sshll.u32 s7, $0x4  }
0xa: {  	s21 =	smul.u32 $0xA000, s7;
	s7 =	simm.s32 $0x380;
	s10 =	sshrl.u32 s6, $0x3  }
0xb: {  	s11 =	sshrl.u32 s9, $0x1;
	s19 =	sor.u32 s5, s12;
	s15 =	sadd.s32 s6, s1  }
0xc: {  	s6 =	sor.u32 $0x1C09, s20;
	s20 =	simm.s32 $0x300;
	s5 =	simm.s32 $0x4  }
0xd: {  	[dreg:$0x4] =	wrdreg s10;
	s10 =	sadd.s32 s10, s0;
	s13 =	sadd.s32 s8, s0  }
0xe: {  	s9 =	ssub.s32 s9, s11;
	s8 =	smul.u32 $0xA00, s19;
	s0 =	sadd.s32 $0x58800, s0  }
0xf: {  	s15 =	sshrl.u32 s15, $0x3;
	s19 =	simm.s32 $0x200;
	s10 =	sadd.s32 $0x2CA00, s10  }
0x10: {  	[dreg:$0x6] =	wrdreg s0;
	s25 =	sadd.s32 $0x58A00, s13;
	s0 =	sadd.s32 s21, s4  }
0x11: {  	s26 =	smax.u32 s9, $0x1;
	s9 =	simm.s32 $0x0;
	[dreg:$0x5] =	wrdreg s10  }
0x12: {  	s10 =	sadd.s32 $0x15F000, s1;
	s8 =	sadd.s32 s4, s8;
	[dreg:$0xb] =	wrdreg s25  }
0x13: {  	[dreg:$0xc] =	wrdreg s26;
	s14 =	sadd.s32 s24, s0;
	s24 =	simm.s32 $0x2  }
.Ltmp0:
0x14: {  	s25 =	simm.s32 $0x4A50;
	s26 =	simm.s32 $0x5;
	(pc) =	sbr.rel .LBB2_1-.Ltmp0, $4  }
0x15: {  	s0 =	simm.s32 $0x180;
	s22 =	sadd.s32 $0x20, s8;
	[dreg:$0x7] =	wrdreg s8  }
0x16: {  	s4 =	simm.s32 $0x8;
	s23 =	sadd.s32 $0x40, s8;
	[dreg:$0x8] =	wrdreg s22  }
0x17: {  	s8 =	sadd.s32 $0x60, s8;
	s17 =	sshrl.u32 @!p0 s10, $0x3;
	[dreg:$0x9] =	wrdreg s23  }
0x18: {  	[dreg:$0xa] =	wrdreg s8;
	s22 =	simm.s32 $0x7D;
	s23 =	simm.s32 $0x400  }
.LBB2_4:
0x19: {  	[bflag:$0x0] =	sbarrier.arrive $0xFFFF  }
0x1a: {  	s8 =	rddreg [dreg:$0x4]  }
0x1b: {  	s10 =	rddreg [dreg:$0xb]  }
0x1c: {  	s8 =	sadd.s32 s8, s10  }
0x1d: {  	[hbm:s8], [sflag:s6] =	dma.local [spmem:s15], $0x2BE0  }
0x1e: {  	_ =	swait.ge [sflag:s16], $0x2BE0  }
0x1f: {  	[sflag:s16] =	ssyncset.done $0x0  }
0x20: {  	s8 =	sadd.s32 @!p0 $0x2BE00, s10;
	[sflag:s16] =	ssyncadd.s32 $0xFFFFD420  }
0x21: {  	[hbm:s8], [sflag:s6] =	dma.local @!p0 [spmem:s17], $0x120  }
0x22: {  	s8 =	simm.s32 @!p0 $0x9  }
0x23: {  	_ =	swait.ge @!p0 [sflag:s8], $0x120  }
0x24: {  	s9 =	sadd.s32 $0x1, s9;
	s21 =	rddreg [dreg:$0xc]  }
0x25: {  	p1 =	sne.s32 s9, s21  }
.Ltmp1:
0x26: {  	_ = 	snop;
	(pc) =	sbr.rel @!p1 .LBB2_5-.Ltmp1, $3  }
0x27: {  	_ =	sdelay $0x1  }
0x28: {  	[sflag:s8] =	ssyncset.done @!p0 $0x0  }
0x29: {  	[sflag:s8] =	ssyncadd.s32 @!p0 $0xFFFFFEE0  }
.LBB2_1:
0x2a: {  	s8 =	rddreg [dreg:$0x5]  }
0x2b: {  	[spmem:s15], [sflag:s6] =	dma.local [hbm:s8], $0x2BE0  }
0x2c: {  	_ =	swait.ge [sflag:s16], $0x2BE0  }
0x2d: {  	[sflag:s16] =	ssyncset.done $0x0  }
0x2e: {  	s10 =	simm.s32 @!p0 $0x9;
	s8 =	rddreg [dreg:$0x6];
	[sflag:s16] =	ssyncadd.s32 $0xFFFFD420  }
0x2f: {  	[spmem:s17], [sflag:s6] =	dma.local @!p0 [hbm:s8], $0x120  }
0x30: {  	_ =	swait.ge @!p0 [sflag:s10], $0x120  }
0x31: {  	[sflag:s10] =	ssyncset.done @!p0 $0x0  }
0x32: {  	[sflag:s10] =	ssyncadd.s32 @!p0 $0xFFFFFEE0  }
0x33: {  	[bflag:$0x0] =	sbarrier.arrive $0xFFFF  }
0x34: {  	s10 =	rddreg [dreg:$0x7]  }
0x35: {  	[tilespmem:s2], [sflag:$0x1] =	stream.linear.gather [hbm4b:s10+s2], $0x100, $0x38;
	[tilespmem:$0x1F030] =	vst v63  }
0x36: {  	s11 =	rddreg [dreg:$0x8]  }
0x37: {  	[tilespmem:s18], [sflag:$0x2] =	stream.linear.gather [hbm4b:s11+s2], $0x100, $0x38;
	[tilespmem:$0x1F030] =	vst v63  }
0x38: {  	s12 =	rddreg [dreg:$0x9]  }
0x39: {  	[tilespmem:s19], [sflag:$0x3] =	stream.linear.gather [hbm4b:s12+s2], $0x100, $0x38;
	[tilespmem:$0x1F030] =	vst v63  }
0x3a: {  	s21 =	simm.s32 $0x1;
	s13 =	rddreg [dreg:$0xa]  }
0x3b: {  	[tilespmem:s20], [sflag:$0x4] =	stream.linear.gather [hbm4b:s13+s2], $0x100, $0x38;
	[tilespmem:$0x1F030] =	vst v63  }
0x3c: {  	_ =	swait.ge [sflag:s21], $0x100  }
0x3d: {  	[sflag:s21] =	ssyncset.done $0x0  }
0x3e: {  	[sflag:s21] =	ssyncadd.s32 $0xFFFFFF00  }
0x3f: {  	[tilespmem:s23], [sflag:$0x5] =	stream.indirect.gather [hbm4b:s3+s22], $0x90, s2, s22, $0xb8;
	[tilespmem:$0x1F030] =	vst v63  }
0x40: {  	_ =	swait.ge [sflag:s24], $0x100  }
0x41: {  	[sflag:s24] =	ssyncset.done $0x0  }
0x42: {  	s10 =	simm.s32 $0x0;
	[sflag:s24] =	ssyncadd.s32 $0xFFFFFF00  }
0x43: {  	[tilespmem:s25], [sflag:$0x6] =	stream.indirect.gather [hbm4b:s3+s22], $0x90, s18, s22, $0xb8;
	[tilespmem:$0x1F030] =	vst v63  }
.LBB2_2:
0x44: {  	_ =	swait.ge [sflag:s26], $0x4650  }
0x45: {  	[sflag:s26] =	ssyncset.done $0x0  }
0x46: {  	[sflag:s26] =	ssyncadd.s32 $0xFFFFB9B0  }
0x47: {  	[spmem:s1] =	stream.indirect.scatter.add.f32 [tilespmem:s23], [sflag:$0x7], $0x90, s28, s22, $0xb8;
	[tilespmem:$0x1F030] =	vst v63  }
0x48: {  	_ =	swait.ge [sflag:s29], $0x4650  }
0x49: {  	[sflag:s29] =	ssyncset.done $0x0  }
0x4a: {  	[sflag:s29] =	ssyncadd.s32 $0xFFFFB9B0  }
0x4b: {  	_ =	swait.ge [sflag:s30], $0x100  }
0x4c: {  	p1 =	seq.s32 s10, $0x980;
	[sflag:s30] =	ssyncset.done $0x0  }
0x4d: {  	s11 =	sadd.s32 @!p1 s10, s14;
	[sflag:s30] =	ssyncadd.s32 $0xFFFFFF00  }
0x4e: {  	[tilespmem:s23], [sflag:$0x5] =	stream.indirect.gather [hbm4b:s3+s22], $0x90, s19, s22, $0xb8;
	[tilespmem:$0x1F030] =	vst v63  }
0x4f: {  	s8 =	simm.s32 @!p1 $0x0;
	s13 =	sadd.s32 @!p1 $0x80, s11  }
0x50: {  	[tilespmem:s8], [sflag:$0x1] =	stream.linear.gather @!p1 [hbm4b:s13+s8], $0x100, $0x38;
	[tilespmem:$0x1F030] =	vst v63  }
0x51: {  	_ =	swait.ge [sflag:s31], $0x4650  }
0x52: {  	[sflag:s31] =	ssyncset.done $0x0  }
0x53: {  	[sflag:s31] =	ssyncadd.s32 $0xFFFFB9B0  }
0x54: {  	[spmem:s1] =	stream.indirect.scatter.add.f32 [tilespmem:s25], [sflag:$0x8], $0x90, s0, s22, $0xb8;
	[tilespmem:$0x1F030] =	vst v63  }
0x55: {  	_ =	swait.ge [sflag:s4], $0x4650  }
0x56: {  	[sflag:s4] =	ssyncset.done $0x0  }
0x57: {  	[sflag:s4] =	ssyncadd.s32 $0xFFFFB9B0  }
0x58: {  	_ =	swait.ge [sflag:s5], $0x100  }
0x59: {  	[sflag:s5] =	ssyncset.done $0x0  }
0x5a: {  	s13 =	simm.s32 @p1 $0x5;
	[sflag:s5] =	ssyncadd.s32 $0xFFFFFF00  }
0x5b: {  	[tilespmem:s25], [sflag:$0x6] =	stream.indirect.gather [hbm4b:s3+s22], $0x90, s20, s22, $0xb8;
	[tilespmem:$0x1F030] =	vst v63  }
0x5c: {  	_ =	swait.ge @p1 [sflag:s13], $0x4650  }
0x5d: {  	s21 =	simm.s32 @p1 $0x280;
	[sflag:s13] =	ssyncset.done @p1 $0x0  }
0x5e: {  	s12 =	simm.s32 @p1 $0x400;
	[sflag:s13] =	ssyncadd.s32 @p1 $0xFFFFB9B0;
	s13 =	simm.s32 @p1 $0x7D  }
0x5f: {  	[spmem:s1] =	stream.indirect.scatter.add.f32 @p1 [tilespmem:s12], [sflag:$0x7], $0x90, s21, s13, $0xb8;
	[tilespmem:$0x1F030] =	vst v63  }
0x60: {  	s12 =	simm.s32 @p1 $0x7  }
0x61: {  	_ =	swait.ge @p1 [sflag:s12], $0x4650  }
0x62: {  	[sflag:s12] =	ssyncset.done @p1 $0x0  }
0x63: {  	s13 =	simm.s32 @!p1 $0x100;
	[sflag:s12] =	ssyncadd.s32 @p1 $0xFFFFB9B0;
	s12 =	sadd.s32 @!p1 $0xA0, s11  }
0x64: {  	[tilespmem:s13], [sflag:$0x2] =	stream.linear.gather @!p1 [hbm4b:s12+s8], $0x100, $0x38;
	[tilespmem:$0x1F030] =	vst v63  }
0x65: {  	s12 =	simm.s32 @!p1 $0x5  }
0x66: {  	_ =	swait.ge @!p1 [sflag:s12], $0x4650  }
0x67: {  	s21 =	simm.s32 @!p1 $0x400;
	[sflag:s12] =	ssyncset.done @!p1 $0x0  }
0x68: {  	s13 =	simm.s32 @!p1 $0x280;
	[sflag:s12] =	ssyncadd.s32 @!p1 $0xFFFFB9B0;
	s12 =	simm.s32 @!p1 $0x7D  }
0x69: {  	[spmem:s1] =	stream.indirect.scatter.add.f32 @!p1 [tilespmem:s21], [sflag:$0x7], $0x90, s13, s12, $0xb8;
	[tilespmem:$0x1F030] =	vst v63  }
0x6a: {  	s13 =	simm.s32 @!p1 $0x7  }
0x6b: {  	_ =	swait.ge @!p1 [sflag:s13], $0x4650  }
0x6c: {  	[sflag:s13] =	ssyncset.done @!p1 $0x0  }
0x6d: {  	[sflag:s13] =	ssyncadd.s32 @!p1 $0xFFFFB9B0;
	s13 =	simm.s32 @!p1 $0x1  }
0x6e: {  	_ =	swait.ge @!p1 [sflag:s13], $0x100  }
0x6f: {  	[sflag:s13] =	ssyncset.done @!p1 $0x0  }
0x70: {  	[sflag:s13] =	ssyncadd.s32 @!p1 $0xFFFFFF00  }
0x71: {  	[tilespmem:s21], [sflag:$0x5] =	stream.indirect.gather @!p1 [hbm4b:s3+s12], $0x90, s8, s12, $0xb8;
	[tilespmem:$0x1F030] =	vst v63  }
0x72: {  	s11 =	sadd.s32 @!p1 $0xC0, s11;
	s12 =	simm.s32 @!p1 $0x200  }
0x73: {  	[tilespmem:s12], [sflag:$0x3] =	stream.linear.gather @!p1 [hbm4b:s11+s8], $0x100, $0x38;
	[tilespmem:$0x1F030] =	vst v63  }
0x74: {  	_ =	swait.ge [sflag:s31], $0x4650  }
0x75: {  	[sflag:s31] =	ssyncset.done $0x0  }
.Ltmp2:
0x76: {  	[sflag:s31] =	ssyncadd.s32 $0xFFFFB9B0;
	(pc) =	sbr.rel @p1 .LBB2_4-.Ltmp2, $4  }
0x77: {  	[spmem:s1] =	stream.indirect.scatter.add.f32 [tilespmem:s25], [sflag:$0x8], $0x90, s7, s22, $0xb8;
	[tilespmem:$0x1F030] =	vst v63  }
0x78: {  	_ =	swait.ge [sflag:s4], $0x4650  }
0x79: {  	[sflag:s4] =	ssyncset.done $0x0  }
0x7a: {  	[sflag:s4] =	ssyncadd.s32 $0xFFFFB9B0  }
0x7b: {  	_ =	swait.ge [sflag:s24], $0x100  }
.Ltmp3:
0x7c: {  	[sflag:s24] =	ssyncset.done $0x0;
	(pc) =	sbr.rel .LBB2_2-.Ltmp3, $4  }
0x7d: {  	s8 =	sadd.s32 s10, s14;
	[sflag:s24] =	ssyncadd.s32 $0xFFFFFF00  }
0x7e: {  	[tilespmem:s25], [sflag:$0x6] =	stream.indirect.gather [hbm4b:s3+s22], $0x90, s18, s22, $0xb8;
	[tilespmem:$0x1F030] =	vst v63  }
0x7f: {  	s10 =	sadd.s32 $0x80, s10;
	s8 =	sadd.s32 $0xE0, s8  }
0x80: {  	[tilespmem:s20], [sflag:$0x4] =	stream.linear.gather [hbm4b:s8+s2], $0x100, $0x38;
	[tilespmem:$0x1F030] =	vst v63  }
.LBB2_5:
0x81: {  	_ =	sfence.sel $0x180000  }
0x82: {  	[bflag:$0x0] =	sbarrier.arrive $0xFFFF  }
0x83: {  	_ =	strace $0x90000047  }
0x84: {  	[bflag:$0x2] =	sbarrier.arrive $0xFFFF  }
0x85: {  	s0 =	rddreg [dreg:$0x3]  }
0x86: {  	s0 =	sadd.s32 @!p0 $0x100000, s0  }
0x87: {  	[sflag:s0] =	ssyncadd.tile.s32 @!p0 $0x1;
	_ =	shalt  }
.Lfunc_end2:
_tile_overlayer_lowered:
.L_overlay_start_2:
0x88: {  	(tag) =	ssettag $0x2  }
0x89: {  	s0 =	rddreg [dreg:$0x0];
	s2 =	stileid.u32  }
0x8a: {  	s1 =	rddreg [dreg:$0x1];
	p0 =	sne.s32 s2, $0x0  }
0x8b: {  	s3 =	rddreg [dreg:$0x2];
	[bflag:$0x3] =	sbarrier.arrive $0xFFFF;
	s2 =	simm.s32 @!p0 $0x1C09  }
0x8c: {  	[timem:s3], [sflag:s2] =	dma.local @!p0 [hbm:s0], s1  }
0x8d: {  	s0 =	simm.s32 @!p0 $0x9  }
0x8e: {  	_ =	swait.ge @!p0 [sflag:s0], s1  }
0x8f: {  	s1 =	ssub.s32 @!p0 $0x0, s1;
	[sflag:s0] =	ssyncset.done @!p0 $0x0  }
0x90: {  	[sflag:s0] =	ssyncadd.s32 @!p0 s1  }
0x91: {  	[bflag:$0x3] =	sbarrier.arrive $0xFFFF  }
0x92: {  	_ =	shalt  }

</sc_bundles>
